<compile_context>
chip_gen: v7x
topology: tpu7x:2x2x1
jax: 0.10.2.dev20260603
libtpu: 0.0.44.dev20260713+nightly
codegen_flags: <defaults>
</compile_context>

<pallas_src>
import functools

import jax
import jax.numpy as jnp
from jax import lax
from jax.experimental import pallas as pl
from jax.experimental.pallas import tpu as pltpu
from jax.experimental.pallas import tpu_sc as plsc

NC = 2
NS = 16
NW = NC * NS
LANES = 16



def _edge_filters(rbf, Wk):
    E, K = rbf.shape
    Fo = Wk.shape[1]
    BE = 3200
    assert E % BE == 0

    def body(rbf_ref, wk_ref, out_ref):
        out_ref[...] = jnp.dot(rbf_ref[...], wk_ref[...],
                               preferred_element_type=jnp.float32)

    return pl.pallas_call(
        body,
        grid=(E // BE,),
        in_specs=[
            pl.BlockSpec((BE, K), lambda i: (i, 0)),
            pl.BlockSpec((K, Fo), lambda i: (0, 0)),
        ],
        out_specs=pl.BlockSpec((BE, Fo), lambda i: (i, 0)),
        out_shape=jax.ShapeDtypeStruct((E, Fo), jnp.float32),
    )(rbf, Wk)


def _project(x, W, b):
    N, F = x.shape
    BN = 2000
    assert N % BN == 0

    def body(x_ref, w_ref, b_ref, out_ref):
        out_ref[...] = (
            jnp.dot(x_ref[...], w_ref[...], preferred_element_type=jnp.float32)
            + b_ref[...]
        )

    return pl.pallas_call(
        body,
        grid=(N // BN,),
        in_specs=[
            pl.BlockSpec((BN, F), lambda i: (i, 0)),
            pl.BlockSpec((F, F), lambda i: (0, 0)),
            pl.BlockSpec((1, F), lambda i: (0, 0)),
        ],
        out_specs=pl.BlockSpec((BN, F), lambda i: (i, 0)),
        out_shape=jax.ShapeDtypeStruct((N, F), jnp.float32),
    )(x, W, b.reshape(1, F))



def _sc_messages(g, xj_src, idx_i, idx_j):
    E, F = g.shape
    N = xj_src.shape[0]
    EPW = E // NW
    C = 80
    assert EPW % C == 0
    steps = EPW // C
    NCHUNK = N // C
    assert N % C == 0
    CPT = -(-NCHUNK // NS)

    mesh = plsc.VectorSubcoreMesh(core_axis_name="c", subcore_axis_name="s")

    @functools.partial(
        pl.kernel,
        mesh=mesh,
        out_type=jax.ShapeDtypeStruct((NC, N, F), jnp.float32),
        scratch_types=[
            pltpu.VMEM((C,), jnp.int32),
            pltpu.VMEM((C,), jnp.int32),
            pltpu.VMEM((C, F), jnp.float32),
            pltpu.VMEM((C, F), jnp.float32),
            pltpu.VMEM_SHARED((N, F), jnp.float32),
            pltpu.SemaphoreType.DMA,
        ],
    )
    def k(g_hbm, xjsrc_hbm, idxi_hbm, idxj_hbm, out_hbm,
          idxj_v, idxi_v, g_v, rows_v, acc, sem):
        c = lax.axis_index("c")
        s = lax.axis_index("s")
        wid = c * NS + s

        def _zrow(r, carry):
            for j in range(F // LANES):
                g_v[r, pl.ds(j * LANES, LANES)] = jnp.zeros((LANES,), jnp.float32)
            return carry
        lax.fori_loop(0, C, _zrow, 0)
        for t in range(CPT):
            q = s + t * NS

            @pl.when(q < NCHUNK)
            def _():
                pltpu.sync_copy(g_v, acc.at[pl.ds(q * C, C)])
        plsc.subcore_barrier()

        base0 = wid * EPW

        def _step(i, carry):
            base = base0 + i * C
            pltpu.sync_copy(idxj_hbm.at[pl.ds(base, C)], idxj_v)
            pltpu.sync_copy(idxi_hbm.at[pl.ds(base, C)], idxi_v)
            gather = pltpu.async_copy(xjsrc_hbm.at[idxj_v], rows_v, sem)
            pltpu.sync_copy(g_hbm.at[pl.ds(base, C)], g_v)
            gather.wait()

            def _mrow(r, inner):
                for j in range(F // LANES):
                    sl = pl.ds(j * LANES, LANES)
                    g_v[r, sl] = g_v[r, sl] * rows_v[r, sl]
                return inner
            lax.fori_loop(0, C, _mrow, 0)

            pltpu.sync_copy(g_v, acc.at[idxi_v], add=True)
            return carry
        lax.fori_loop(0, steps, _step, 0)

        plsc.subcore_barrier()

        for t in range(CPT):
            q = s + t * NS

            @pl.when(q < NCHUNK)
            def _():
                pltpu.sync_copy(acc.at[pl.ds(q * C, C)], g_v)
                pltpu.sync_copy(g_v, out_hbm.at[c, pl.ds(q * C, C)])

    return k(g, xj_src, idx_i, idx_j)



def _tail(x, parts, Wi, bi, Wri1, bri1, Wri2, bri2, Wd, bd, u, Wra1, bra1,
          Wra2, bra2):
    N, F = x.shape
    LR = Wri1.shape[0]
    BN = 2000
    assert N % BN == 0

    def body(x_ref, p_ref, wi, bi_, wri1, bri1_, wri2, bri2_, wd, bd_, u_,
             wra1, bra1_, wra2, bra2_, out_ref):
        xb = x_ref[...]
        p = p_ref[...]
        m = (jnp.dot(xb, wi[...], preferred_element_type=jnp.float32)
             + bi_[...] + p[0] + p[1])
        for l in range(LR):
            t = (jnp.dot(m, wri1[l], preferred_element_type=jnp.float32)
                 + bri1_[...][l].reshape(1, F))
            m = m + (jnp.dot(t, wri2[l], preferred_element_type=jnp.float32)
                     + bri2_[...][l].reshape(1, F))
        x1 = u_[...] * xb + (jnp.dot(m, wd[...], preferred_element_type=jnp.float32)
                             + bd_[...])
        for l in range(LR):
            t = (jnp.dot(x1, wra1[l], preferred_element_type=jnp.float32)
                 + bra1_[...][l].reshape(1, F))
            x1 = x1 + (jnp.dot(t, wra2[l], preferred_element_type=jnp.float32)
                       + bra2_[...][l].reshape(1, F))
        out_ref[...] = x1

    full = lambda shape: pl.BlockSpec(shape, lambda i: tuple(0 for _ in shape))
    return pl.pallas_call(
        body,
        grid=(N // BN,),
        in_specs=[
            pl.BlockSpec((BN, F), lambda i: (i, 0)),
            pl.BlockSpec((NC, BN, F), lambda i: (0, i, 0)),
            full((F, F)),
            full((1, F)),
            full((LR, F, F)),
            full((LR, F)),
            full((LR, F, F)),
            full((LR, F)),
            full((F, F)),
            full((1, F)),
            full((1, F)),
            full((LR, F, F)),
            full((LR, F)),
            full((LR, F, F)),
            full((LR, F)),
        ],
        out_specs=pl.BlockSpec((BN, F), lambda i: (i, 0)),
        out_shape=jax.ShapeDtypeStruct((N, F), jnp.float32),
    )(x, parts, Wi, bi.reshape(1, F), Wri1, bri1, Wri2, bri2, Wd,
      bd.reshape(1, F), u.reshape(1, F), Wra1, bra1, Wra2, bra2)


def kernel(x, rbf, idx_i, idx_j, Wk, Wi, bi, Wj, bj, Wri1, bri1, Wri2, bri2,
           Wd, bd, u, Wra1, bra1, Wra2, bra2):
    g = _edge_filters(rbf, Wk)
    xj_src = _project(x, Wj, bj)
    parts = _sc_messages(g, xj_src, idx_i, idx_j)
    return _tail(x, parts, Wi, bi, Wri1, bri1, Wri2, bri2, Wd, bd, u,
                 Wra1, bra1, Wra2, bra2)

# --- scband reference (transcript-rebuilt; emitter-appended) ---
"""Pipeline reference for scband-interaction-block-35347580846262 (READ-ONLY COPY).

The authoritative reference and input builder live on the scoring server;
editing this copy changes nothing except your own understanding.
"""

import jax, jax.numpy as jnp
import numpy as np

N = 10000
E = 320000
F = 128
K = 64
LR = 2  # num_residual_interaction == num_residual_atomic == 2


def setup_inputs(seed: int = 0) -> dict:
    key = jax.random.key(seed)
    ks = jax.random.split(key, 24)
    s = 1.0 / np.sqrt(F)
    inp = {}
    inp["x"] = jax.random.normal(ks[0], (N, F), dtype=jnp.float32)
    inp["rbf"] = jax.random.uniform(ks[1], (E, K), dtype=jnp.float32)
    inp["idx_i"] = jax.random.randint(ks[2], (E,), 0, N, dtype=jnp.int32)
    inp["idx_j"] = jax.random.randint(ks[3], (E,), 0, N, dtype=jnp.int32)
    # InteractionLayer params (PhysNet): k2f (no bias), dense_i, dense_j,
    # interaction residual stack, final dense, gating vector u
    inp["Wk"] = jax.random.normal(ks[4], (K, F), dtype=jnp.float32) * (1.0 / np.sqrt(K))
    inp["Wi"] = jax.random.normal(ks[5], (F, F), dtype=jnp.float32) * s
    inp["bi"] = jnp.zeros((F,), dtype=jnp.float32)
    inp["Wj"] = jax.random.normal(ks[6], (F, F), dtype=jnp.float32) * s
    inp["bj"] = jnp.zeros((F,), dtype=jnp.float32)
    inp["Wri1"] = jax.random.normal(ks[7], (LR, F, F), dtype=jnp.float32) * s
    inp["bri1"] = jnp.zeros((LR, F), dtype=jnp.float32)
    inp["Wri2"] = jax.random.normal(ks[8], (LR, F, F), dtype=jnp.float32) * s
    inp["bri2"] = jnp.zeros((LR, F), dtype=jnp.float32)
    inp["Wd"] = jax.random.normal(ks[9], (F, F), dtype=jnp.float32) * s
    inp["bd"] = jnp.zeros((F,), dtype=jnp.float32)
    inp["u"] = jnp.ones((F,), dtype=jnp.float32)
    # atomic residual stack params
    inp["Wra1"] = jax.random.normal(ks[10], (LR, F, F), dtype=jnp.float32) * s
    inp["bra1"] = jnp.zeros((LR, F), dtype=jnp.float32)
    inp["Wra2"] = jax.random.normal(ks[11], (LR, F, F), dtype=jnp.float32) * s
    inp["bra2"] = jnp.zeros((LR, F), dtype=jnp.float32)
    return inp


def reference(x, rbf, idx_i, idx_j, Wk, Wi, bi, Wj, bj, Wri1, bri1, Wri2, bri2, Wd, bd, u, Wra1, bra1, Wra2, bra2):
    # InteractionLayer (activation_fn=None, rate=0.0 -> identity activation, no dropout)
    g = rbf @ Wk                               # [E, F] edge filters from rbf
    xi = x @ Wi + bi                           # [N, F] central-atom branch
    xj_src = x @ Wj + bj                       # [N, F] neighbor branch
    msg = g * jnp.take(xj_src, idx_j, axis=0)  # [E, F] gather + modulate
    xj = jax.ops.segment_sum(msg, idx_i, num_segments=x.shape[0])  # scatter-add to centers
    m = xi + xj
    # interaction residual layers: m = m + W2 (W1 m + b1) + b2
    for l in range(Wri1.shape[0]):
        m = m + ((m @ Wri1[l] + bri1[l]) @ Wri2[l] + bri2[l])
    x1 = u * x + (m @ Wd + bd)
    # atomic residual layers
    for l in range(Wra1.shape[0]):
        x1 = x1 + ((x1 @ Wra1[l] + bra1[l]) @ Wra2[l] + bra2[l])
    return x1

if __name__ == "__main__":
    import jax
    _d = setup_inputs()
    print(jax.jit(kernel)(*tuple(_d.values())))

</pallas_src>

<mosaic_0001>
#map = affine_map<(d0, d1) -> (0, 0)>
#map1 = affine_map<(d0, d1) -> (0)>
#map2 = affine_map<(d0, d1) -> (0, 0, 0)>
module attributes {stable_mosaic.version = 14 : i64} {
  func.func @k(%arg0: i32, %arg1: i32, %arg2: memref<320000x128xf32, #tpu.memory_space<hbm>>, %arg3: memref<10000x128xf32, #tpu.memory_space<hbm>>, %arg4: memref<320000xi32, #tpu.memory_space<hbm>>, %arg5: memref<320000xi32, #tpu.memory_space<hbm>>, %arg6: memref<2x10000x128xf32, #tpu.memory_space<hbm>>, %arg7: memref<80xi32, #tpu.memory_space<vmem>>, %arg8: memref<80xi32, #tpu.memory_space<vmem>>, %arg9: memref<80x128xf32, #tpu.memory_space<vmem>>, %arg10: memref<80x128xf32, #tpu.memory_space<vmem>>, %arg11: memref<10000x128xf32, #tpu.memory_space<vmem_shared>>, %arg12: memref<!tpu.dma_semaphore, #tpu.memory_space<semaphore_mem>>) attributes {dimension_semantics = [#tpu.dimension_semantics<core_parallel>, #tpu.dimension_semantics<subcore_parallel>], iteration_bounds = array<i64: 2, 16>, scalar_prefetch = 0 : i64, scratch_operands = 6 : i64, tpu.core_type = #tpu.core_type<sc_vector_subcore>, window_params = [{transform_indices = #map}, {transform_indices = #map}, {transform_indices = #map1}, {transform_indices = #map1}, {transform_indices = #map2}]} {
    %mul3A = arith.constant 16 : i32
    %mul3A_0 = arith.muli %arg0, %mul3A : i32
    %add3A = arith.addi %mul3A_0, %arg1 : i32
    %scan3A = arith.constant 0 : i32
    %scan3A_1 = arith.constant 0 : i32
    %scan3A_2 = arith.constant 80 : i32
    %scan3A_3 = arith.addi %scan3A_1, %scan3A_2 : i32
    %scan3A_4 = arith.constant 1 : i32
    scf.for %scan3A_124 = %scan3A_1 to %scan3A_3 step %scan3A_4  : i32 {
      %broadcast_in_dim3A = arith.constant 0.000000e+00 : f32
      %broadcast_in_dim3A_125 = vector.broadcast %broadcast_in_dim3A : f32 to vector<16xf32>
      %swap3A = arith.index_cast %scan3A_124 : i32 to index
      %swap3A_126 = arith.constant 0 : index
      %swap3A_127 = tpu.vector_load %arg9[%swap3A, %swap3A_126] {strides = array<i32>} : memref<80x128xf32, #tpu.memory_space<vmem>>, vector<1x16xf32>,
      %swap3A_128 = vector.shape_cast %swap3A_127 : vector<1x16xf32> to vector<16xf32>
      %swap3A_129 = vector.shape_cast %broadcast_in_dim3A_125 : vector<16xf32> to vector<1x16xf32>
      tpu.vector_store %arg9[%swap3A, %swap3A_126], %swap3A_129 {strides = array<i32>} : memref<80x128xf32, #tpu.memory_space<vmem>>, vector<1x16xf32>,
      %broadcast_in_dim3A_130 = arith.constant 0.000000e+00 : f32
      %broadcast_in_dim3A_131 = vector.broadcast %broadcast_in_dim3A_130 : f32 to vector<16xf32>
      %swap3A_132 = arith.index_cast %scan3A_124 : i32 to index
      %swap3A_133 = arith.constant 16 : index
      %swap3A_134 = tpu.vector_load %arg9[%swap3A_132, %swap3A_133] {strides = array<i32>} : memref<80x128xf32, #tpu.memory_space<vmem>>, vector<1x16xf32>,
      %swap3A_135 = vector.shape_cast %swap3A_134 : vector<1x16xf32> to vector<16xf32>
      %swap3A_136 = vector.shape_cast %broadcast_in_dim3A_131 : vector<16xf32> to vector<1x16xf32>
      tpu.vector_store %arg9[%swap3A_132, %swap3A_133], %swap3A_136 {strides = array<i32>} : memref<80x128xf32, #tpu.memory_space<vmem>>, vector<1x16xf32>,
      %broadcast_in_dim3A_137 = arith.constant 0.000000e+00 : f32
      %broadcast_in_dim3A_138 = vector.broadcast %broadcast_in_dim3A_137 : f32 to vector<16xf32>
      %swap3A_139 = arith.index_cast %scan3A_124 : i32 to index
      %swap3A_140 = arith.constant 32 : index
      %swap3A_141 = tpu.vector_load %arg9[%swap3A_139, %swap3A_140] {strides = array<i32>} : memref<80x128xf32, #tpu.memory_space<vmem>>, vector<1x16xf32>,
      %swap3A_142 = vector.shape_cast %swap3A_141 : vector<1x16xf32> to vector<16xf32>
      %swap3A_143 = vector.shape_cast %broadcast_in_dim3A_138 : vector<16xf32> to vector<1x16xf32>
      tpu.vector_store %arg9[%swap3A_139, %swap3A_140], %swap3A_143 {strides = array<i32>} : memref<80x128xf32, #tpu.memory_space<vmem>>, vector<1x16xf32>,
      %broadcast_in_dim3A_144 = arith.constant 0.000000e+00 : f32
      %broadcast_in_dim3A_145 = vector.broadcast %broadcast_in_dim3A_144 : f32 to vector<16xf32>
      %swap3A_146 = arith.index_cast %scan3A_124 : i32 to index
      %swap3A_147 = arith.constant 48 : index
      %swap3A_148 = tpu.vector_load %arg9[%swap3A_146, %swap3A_147] {strides = array<i32>} : memref<80x128xf32, #tpu.memory_space<vmem>>, vector<1x16xf32>,
      %swap3A_149 = vector.shape_cast %swap3A_148 : vector<1x16xf32> to vector<16xf32>
      %swap3A_150 = vector.shape_cast %broadcast_in_dim3A_145 : vector<16xf32> to vector<1x16xf32>
      tpu.vector_store %arg9[%swap3A_146, %swap3A_147], %swap3A_150 {strides = array<i32>} : memref<80x128xf32, #tpu.memory_space<vmem>>, vector<1x16xf32>,
      %broadcast_in_dim3A_151 = arith.constant 0.000000e+00 : f32
      %broadcast_in_dim3A_152 = vector.broadcast %broadcast_in_dim3A_151 : f32 to vector<16xf32>
      %swap3A_153 = arith.index_cast %scan3A_124 : i32 to index
      %swap3A_154 = arith.constant 64 : index
      %swap3A_155 = tpu.vector_load %arg9[%swap3A_153, %swap3A_154] {strides = array<i32>} : memref<80x128xf32, #tpu.memory_space<vmem>>, vector<1x16xf32>,
      %swap3A_156 = vector.shape_cast %swap3A_155 : vector<1x16xf32> to vector<16xf32>
      %swap3A_157 = vector.shape_cast %broadcast_in_dim3A_152 : vector<16xf32> to vector<1x16xf32>
      tpu.vector_store %arg9[%swap3A_153, %swap3A_154], %swap3A_157 {strides = array<i32>} : memref<80x128xf32, #tpu.memory_space<vmem>>, vector<1x16xf32>,
      %broadcast_in_dim3A_158 = arith.constant 0.000000e+00 : f32
      %broadcast_in_dim3A_159 = vector.broadcast %broadcast_in_dim3A_158 : f32 to vector<16xf32>
      %swap3A_160 = arith.index_cast %scan3A_124 : i32 to index
      %swap3A_161 = arith.constant 80 : index
      %swap3A_162 = tpu.vector_load %arg9[%swap3A_160, %swap3A_161] {strides = array<i32>} : memref<80x128xf32, #tpu.memory_space<vmem>>, vector<1x16xf32>,
      %swap3A_163 = vector.shape_cast %swap3A_162 : vector<1x16xf32> to vector<16xf32>
      %swap3A_164 = vector.shape_cast %broadcast_in_dim3A_159 : vector<16xf32> to vector<1x16xf32>
      tpu.vector_store %arg9[%swap3A_160, %swap3A_161], %swap3A_164 {strides = array<i32>} : memref<80x128xf32, #tpu.memory_space<vmem>>, vector<1x16xf32>,
      %broadcast_in_dim3A_165 = arith.constant 0.000000e+00 : f32
      %broadcast_in_dim3A_166 = vector.broadcast %broadcast_in_dim3A_165 : f32 to vector<16xf32>
      %swap3A_167 = arith.index_cast %scan3A_124 : i32 to index
      %swap3A_168 = arith.constant 96 : index
      %swap3A_169 = tpu.vector_load %arg9[%swap3A_167, %swap3A_168] {strides = array<i32>} : memref<80x128xf32, #tpu.memory_space<vmem>>, vector<1x16xf32>,
      %swap3A_170 = vector.shape_cast %swap3A_169 : vector<1x16xf32> to vector<16xf32>
      %swap3A_171 = vector.shape_cast %broadcast_in_dim3A_166 : vector<16xf32> to vector<1x16xf32>
      tpu.vector_store %arg9[%swap3A_167, %swap3A_168], %swap3A_171 {strides = array<i32>} : memref<80x128xf32, #tpu.memory_space<vmem>>, vector<1x16xf32>,
      %broadcast_in_dim3A_172 = arith.constant 0.000000e+00 : f32
      %broadcast_in_dim3A_173 = vector.broadcast %broadcast_in_dim3A_172 : f32 to vector<16xf32>
      %swap3A_174 = arith.index_cast %scan3A_124 : i32 to index
      %swap3A_175 = arith.constant 112 : index
      %swap3A_176 = tpu.vector_load %arg9[%swap3A_174, %swap3A_175] {strides = array<i32>} : memref<80x128xf32, #tpu.memory_space<vmem>>, vector<1x16xf32>,
      %swap3A_177 = vector.shape_cast %swap3A_176 : vector<1x16xf32> to vector<16xf32>
      %swap3A_178 = vector.shape_cast %broadcast_in_dim3A_173 : vector<16xf32> to vector<1x16xf32>
      tpu.vector_store %arg9[%swap3A_174, %swap3A_175], %swap3A_178 {strides = array<i32>} : memref<80x128xf32, #tpu.memory_space<vmem>>, vector<1x16xf32>,
    }
    %scan3A_5 = arith.constant 80 : i32
    %add3A_6 = arith.constant 0 : i32
    %add3A_7 = arith.addi %arg1, %add3A_6 : i32
    %lt3A = arith.constant 125 : i32
    %lt3A_8 = arith.cmpi slt, %add3A_7, %lt3A : i32
    %convert_element_type3A = arith.extui %lt3A_8 : i1 to i32
    %cond3A = arith.constant 0 : i32
    %cond3A_9 = arith.cmpi ne, %convert_element_type3A, %cond3A : i32
    scf.if %cond3A_9 {
      %mul3A_124 = arith.constant 80 : i32
      %mul3A_125 = arith.muli %add3A_7, %mul3A_124 : i32
      "tpu.region"() ({
        %run_scoped3A = tpu.sem_alloc : memref<!tpu.dma_semaphore, #tpu.memory_space<semaphore_mem>>
        %dma_start3A = arith.constant 0 : i32
        %dma_start3A_126 = tpu.memref_slice %arg11[%mul3A_125, %dma_start3A] : memref<10000x128xf32, #tpu.memory_space<vmem_shared>> -> memref<80x128xf32, #tpu.memory_space<vmem_shared>>
        %dma_start3A_127 = arith.constant 0 : i32
        %dma_start3A_128 = tpu.memref_slice %arg11[%mul3A_125, %dma_start3A_127] : memref<10000x128xf32, #tpu.memory_space<vmem_shared>> -> memref<80x128xf32, #tpu.memory_space<vmem_shared>>
        tpu.enqueue_dma source(%arg9 : memref<80x128xf32, #tpu.memory_space<vmem>>) target(%dma_start3A_128 : memref<80x128xf32, #tpu.memory_space<vmem_shared>>) target_semaphore(%run_scoped3A : memref<!tpu.dma_semaphore, #tpu.memory_space<semaphore_mem>>)
        %dma_wait3A = arith.constant 0 : i32
        %dma_wait3A_129 = tpu.memref_slice %arg11[%mul3A_125, %dma_wait3A] : memref<10000x128xf32, #tpu.memory_space<vmem_shared>> -> memref<80x128xf32, #tpu.memory_space<vmem_shared>>
        %dma_wait3A_130 = arith.constant 0 : i32
        %dma_wait3A_131 = tpu.memref_slice %arg11[%mul3A_125, %dma_wait3A_130] : memref<10000x128xf32, #tpu.memory_space<vmem_shared>> -> memref<80x128xf32, #tpu.memory_space<vmem_shared>>
        tpu.wait_dma2 semaphore(%run_scoped3A : memref<!tpu.dma_semaphore, #tpu.memory_space<semaphore_mem>>) src(%arg9 : memref<80x128xf32, #tpu.memory_space<vmem>>) dst(%dma_wait3A_131 : memref<80x128xf32, #tpu.memory_space<vmem_shared>>)
        tpu.yield
      }) : () -> ()
    } else {
    }
    %add3A_10 = arith.constant 16 : i32
    %add3A_11 = arith.addi %arg1, %add3A_10 : i32
    %lt3A_12 = arith.constant 125 : i32
    %lt3A_13 = arith.cmpi slt, %add3A_11, %lt3A_12 : i32
    %convert_element_type3A_14 = arith.extui %lt3A_13 : i1 to i32
    %cond3A_15 = arith.constant 0 : i32
    %cond3A_16 = arith.cmpi ne, %convert_element_type3A_14, %cond3A_15 : i32
    scf.if %cond3A_16 {
      %mul3A_124 = arith.constant 80 : i32
      %mul3A_125 = arith.muli %add3A_11, %mul3A_124 : i32
      "tpu.region"() ({
        %run_scoped3A = tpu.sem_alloc : memref<!tpu.dma_semaphore, #tpu.memory_space<semaphore_mem>>
        %dma_start3A = arith.constant 0 : i32
        %dma_start3A_126 = tpu.memref_slice %arg11[%mul3A_125, %dma_start3A] : memref<10000x128xf32, #tpu.memory_space<vmem_shared>> -> memref<80x128xf32, #tpu.memory_space<vmem_shared>>
        %dma_start3A_127 = arith.constant 0 : i32
        %dma_start3A_128 = tpu.memref_slice %arg11[%mul3A_125, %dma_start3A_127] : memref<10000x128xf32, #tpu.memory_space<vmem_shared>> -> memref<80x128xf32, #tpu.memory_space<vmem_shared>>
        tpu.enqueue_dma source(%arg9 : memref<80x128xf32, #tpu.memory_space<vmem>>) target(%dma_start3A_128 : memref<80x128xf32, #tpu.memory_space<vmem_shared>>) target_semaphore(%run_scoped3A : memref<!tpu.dma_semaphore, #tpu.memory_space<semaphore_mem>>)
        %dma_wait3A = arith.constant 0 : i32
        %dma_wait3A_129 = tpu.memref_slice %arg11[%mul3A_125, %dma_wait3A] : memref<10000x128xf32, #tpu.memory_space<vmem_shared>> -> memref<80x128xf32, #tpu.memory_space<vmem_shared>>
        %dma_wait3A_130 = arith.constant 0 : i32
        %dma_wait3A_131 = tpu.memref_slice %arg11[%mul3A_125, %dma_wait3A_130] : memref<10000x128xf32, #tpu.memory_space<vmem_shared>> -> memref<80x128xf32, #tpu.memory_space<vmem_shared>>
        tpu.wait_dma2 semaphore(%run_scoped3A : memref<!tpu.dma_semaphore, #tpu.memory_space<semaphore_mem>>) src(%arg9 : memref<80x128xf32, #tpu.memory_space<vmem>>) dst(%dma_wait3A_131 : memref<80x128xf32, #tpu.memory_space<vmem_shared>>)
        tpu.yield
      }) : () -> ()
    } else {
    }
    %add3A_17 = arith.constant 32 : i32
    %add3A_18 = arith.addi %arg1, %add3A_17 : i32
    %lt3A_19 = arith.constant 125 : i32
    %lt3A_20 = arith.cmpi slt, %add3A_18, %lt3A_19 : i32
    %convert_element_type3A_21 = arith.extui %lt3A_20 : i1 to i32
    %cond3A_22 = arith.constant 0 : i32
    %cond3A_23 = arith.cmpi ne, %convert_element_type3A_21, %cond3A_22 : i32
    scf.if %cond3A_23 {
      %mul3A_124 = arith.constant 80 : i32
      %mul3A_125 = arith.muli %add3A_18, %mul3A_124 : i32
      "tpu.region"() ({
        %run_scoped3A = tpu.sem_alloc : memref<!tpu.dma_semaphore, #tpu.memory_space<semaphore_mem>>
        %dma_start3A = arith.constant 0 : i32
        %dma_start3A_126 = tpu.memref_slice %arg11[%mul3A_125, %dma_start3A] : memref<10000x128xf32, #tpu.memory_space<vmem_shared>> -> memref<80x128xf32, #tpu.memory_space<vmem_shared>>
        %dma_start3A_127 = arith.constant 0 : i32
        %dma_start3A_128 = tpu.memref_slice %arg11[%mul3A_125, %dma_start3A_127] : memref<10000x128xf32, #tpu.memory_space<vmem_shared>> -> memref<80x128xf32, #tpu.memory_space<vmem_shared>>
        tpu.enqueue_dma source(%arg9 : memref<80x128xf32, #tpu.memory_space<vmem>>) target(%dma_start3A_128 : memref<80x128xf32, #tpu.memory_space<vmem_shared>>) target_semaphore(%run_scoped3A : memref<!tpu.dma_semaphore, #tpu.memory_space<semaphore_mem>>)
        %dma_wait3A = arith.constant 0 : i32
        %dma_wait3A_129 = tpu.memref_slice %arg11[%mul3A_125, %dma_wait3A] : memref<10000x128xf32, #tpu.memory_space<vmem_shared>> -> memref<80x128xf32, #tpu.memory_space<vmem_shared>>
        %dma_wait3A_130 = arith.constant 0 : i32
        %dma_wait3A_131 = tpu.memref_slice %arg11[%mul3A_125, %dma_wait3A_130] : memref<10000x128xf32, #tpu.memory_space<vmem_shared>> -> memref<80x128xf32, #tpu.memory_space<vmem_shared>>
        tpu.wait_dma2 semaphore(%run_scoped3A : memref<!tpu.dma_semaphore, #tpu.memory_space<semaphore_mem>>) src(%arg9 : memref<80x128xf32, #tpu.memory_space<vmem>>) dst(%dma_wait3A_131 : memref<80x128xf32, #tpu.memory_space<vmem_shared>>)
        tpu.yield
      }) : () -> ()
    } else {
    }
    %add3A_24 = arith.constant 48 : i32
    %add3A_25 = arith.addi %arg1, %add3A_24 : i32
    %lt3A_26 = arith.constant 125 : i32
    %lt3A_27 = arith.cmpi slt, %add3A_25, %lt3A_26 : i32
    %convert_element_type3A_28 = arith.extui %lt3A_27 : i1 to i32
    %cond3A_29 = arith.constant 0 : i32
    %cond3A_30 = arith.cmpi ne, %convert_element_type3A_28, %cond3A_29 : i32
    scf.if %cond3A_30 {
      %mul3A_124 = arith.constant 80 : i32
      %mul3A_125 = arith.muli %add3A_25, %mul3A_124 : i32
      "tpu.region"() ({
        %run_scoped3A = tpu.sem_alloc : memref<!tpu.dma_semaphore, #tpu.memory_space<semaphore_mem>>
        %dma_start3A = arith.constant 0 : i32
        %dma_start3A_126 = tpu.memref_slice %arg11[%mul3A_125, %dma_start3A] : memref<10000x128xf32, #tpu.memory_space<vmem_shared>> -> memref<80x128xf32, #tpu.memory_space<vmem_shared>>
        %dma_start3A_127 = arith.constant 0 : i32
        %dma_start3A_128 = tpu.memref_slice %arg11[%mul3A_125, %dma_start3A_127] : memref<10000x128xf32, #tpu.memory_space<vmem_shared>> -> memref<80x128xf32, #tpu.memory_space<vmem_shared>>
        tpu.enqueue_dma source(%arg9 : memref<80x128xf32, #tpu.memory_space<vmem>>) target(%dma_start3A_128 : memref<80x128xf32, #tpu.memory_space<vmem_shared>>) target_semaphore(%run_scoped3A : memref<!tpu.dma_semaphore, #tpu.memory_space<semaphore_mem>>)
        %dma_wait3A = arith.constant 0 : i32
        %dma_wait3A_129 = tpu.memref_slice %arg11[%mul3A_125, %dma_wait3A] : memref<10000x128xf32, #tpu.memory_space<vmem_shared>> -> memref<80x128xf32, #tpu.memory_space<vmem_shared>>
        %dma_wait3A_130 = arith.constant 0 : i32
        %dma_wait3A_131 = tpu.memref_slice %arg11[%mul3A_125, %dma_wait3A_130] : memref<10000x128xf32, #tpu.memory_space<vmem_shared>> -> memref<80x128xf32, #tpu.memory_space<vmem_shared>>
        tpu.wait_dma2 semaphore(%run_scoped3A : memref<!tpu.dma_semaphore, #tpu.memory_space<semaphore_mem>>) src(%arg9 : memref<80x128xf32, #tpu.memory_space<vmem>>) dst(%dma_wait3A_131 : memref<80x128xf32, #tpu.memory_space<vmem_shared>>)
        tpu.yield
      }) : () -> ()
    } else {
    }
    %add3A_31 = arith.constant 64 : i32
    %add3A_32 = arith.addi %arg1, %add3A_31 : i32
    %lt3A_33 = arith.constant 125 : i32
    %lt3A_34 = arith.cmpi slt, %add3A_32, %lt3A_33 : i32
    %convert_element_type3A_35 = arith.extui %lt3A_34 : i1 to i32
    %cond3A_36 = arith.constant 0 : i32
    %cond3A_37 = arith.cmpi ne, %convert_element_type3A_35, %cond3A_36 : i32
    scf.if %cond3A_37 {
      %mul3A_124 = arith.constant 80 : i32
      %mul3A_125 = arith.muli %add3A_32, %mul3A_124 : i32
      "tpu.region"() ({
        %run_scoped3A = tpu.sem_alloc : memref<!tpu.dma_semaphore, #tpu.memory_space<semaphore_mem>>
        %dma_start3A = arith.constant 0 : i32
        %dma_start3A_126 = tpu.memref_slice %arg11[%mul3A_125, %dma_start3A] : memref<10000x128xf32, #tpu.memory_space<vmem_shared>> -> memref<80x128xf32, #tpu.memory_space<vmem_shared>>
        %dma_start3A_127 = arith.constant 0 : i32
        %dma_start3A_128 = tpu.memref_slice %arg11[%mul3A_125, %dma_start3A_127] : memref<10000x128xf32, #tpu.memory_space<vmem_shared>> -> memref<80x128xf32, #tpu.memory_space<vmem_shared>>
        tpu.enqueue_dma source(%arg9 : memref<80x128xf32, #tpu.memory_space<vmem>>) target(%dma_start3A_128 : memref<80x128xf32, #tpu.memory_space<vmem_shared>>) target_semaphore(%run_scoped3A : memref<!tpu.dma_semaphore, #tpu.memory_space<semaphore_mem>>)
        %dma_wait3A = arith.constant 0 : i32
        %dma_wait3A_129 = tpu.memref_slice %arg11[%mul3A_125, %dma_wait3A] : memref<10000x128xf32, #tpu.memory_space<vmem_shared>> -> memref<80x128xf32, #tpu.memory_space<vmem_shared>>
        %dma_wait3A_130 = arith.constant 0 : i32
        %dma_wait3A_131 = tpu.memref_slice %arg11[%mul3A_125, %dma_wait3A_130] : memref<10000x128xf32, #tpu.memory_space<vmem_shared>> -> memref<80x128xf32, #tpu.memory_space<vmem_shared>>
        tpu.wait_dma2 semaphore(%run_scoped3A : memref<!tpu.dma_semaphore, #tpu.memory_space<semaphore_mem>>) src(%arg9 : memref<80x128xf32, #tpu.memory_space<vmem>>) dst(%dma_wait3A_131 : memref<80x128xf32, #tpu.memory_space<vmem_shared>>)
        tpu.yield
      }) : () -> ()
    } else {
    }
    %add3A_38 = arith.constant 80 : i32
    %add3A_39 = arith.addi %arg1, %add3A_38 : i32
    %lt3A_40 = arith.constant 125 : i32
    %lt3A_41 = arith.cmpi slt, %add3A_39, %lt3A_40 : i32
    %convert_element_type3A_42 = arith.extui %lt3A_41 : i1 to i32
    %cond3A_43 = arith.constant 0 : i32
    %cond3A_44 = arith.cmpi ne, %convert_element_type3A_42, %cond3A_43 : i32
    scf.if %cond3A_44 {
      %mul3A_124 = arith.constant 80 : i32
      %mul3A_125 = arith.muli %add3A_39, %mul3A_124 : i32
      "tpu.region"() ({
        %run_scoped3A = tpu.sem_alloc : memref<!tpu.dma_semaphore, #tpu.memory_space<semaphore_mem>>
        %dma_start3A = arith.constant 0 : i32
        %dma_start3A_126 = tpu.memref_slice %arg11[%mul3A_125, %dma_start3A] : memref<10000x128xf32, #tpu.memory_space<vmem_shared>> -> memref<80x128xf32, #tpu.memory_space<vmem_shared>>
        %dma_start3A_127 = arith.constant 0 : i32
        %dma_start3A_128 = tpu.memref_slice %arg11[%mul3A_125, %dma_start3A_127] : memref<10000x128xf32, #tpu.memory_space<vmem_shared>> -> memref<80x128xf32, #tpu.memory_space<vmem_shared>>
        tpu.enqueue_dma source(%arg9 : memref<80x128xf32, #tpu.memory_space<vmem>>) target(%dma_start3A_128 : memref<80x128xf32, #tpu.memory_space<vmem_shared>>) target_semaphore(%run_scoped3A : memref<!tpu.dma_semaphore, #tpu.memory_space<semaphore_mem>>)
        %dma_wait3A = arith.constant 0 : i32
        %dma_wait3A_129 = tpu.memref_slice %arg11[%mul3A_125, %dma_wait3A] : memref<10000x128xf32, #tpu.memory_space<vmem_shared>> -> memref<80x128xf32, #tpu.memory_space<vmem_shared>>
        %dma_wait3A_130 = arith.constant 0 : i32
        %dma_wait3A_131 = tpu.memref_slice %arg11[%mul3A_125, %dma_wait3A_130] : memref<10000x128xf32, #tpu.memory_space<vmem_shared>> -> memref<80x128xf32, #tpu.memory_space<vmem_shared>>
        tpu.wait_dma2 semaphore(%run_scoped3A : memref<!tpu.dma_semaphore, #tpu.memory_space<semaphore_mem>>) src(%arg9 : memref<80x128xf32, #tpu.memory_space<vmem>>) dst(%dma_wait3A_131 : memref<80x128xf32, #tpu.memory_space<vmem_shared>>)
        tpu.yield
      }) : () -> ()
    } else {
    }
    %add3A_45 = arith.constant 96 : i32
    %add3A_46 = arith.addi %arg1, %add3A_45 : i32
    %lt3A_47 = arith.constant 125 : i32
    %lt3A_48 = arith.cmpi slt, %add3A_46, %lt3A_47 : i32
    %convert_element_type3A_49 = arith.extui %lt3A_48 : i1 to i32
    %cond3A_50 = arith.constant 0 : i32
    %cond3A_51 = arith.cmpi ne, %convert_element_type3A_49, %cond3A_50 : i32
    scf.if %cond3A_51 {
      %mul3A_124 = arith.constant 80 : i32
      %mul3A_125 = arith.muli %add3A_46, %mul3A_124 : i32
      "tpu.region"() ({
        %run_scoped3A = tpu.sem_alloc : memref<!tpu.dma_semaphore, #tpu.memory_space<semaphore_mem>>
        %dma_start3A = arith.constant 0 : i32
        %dma_start3A_126 = tpu.memref_slice %arg11[%mul3A_125, %dma_start3A] : memref<10000x128xf32, #tpu.memory_space<vmem_shared>> -> memref<80x128xf32, #tpu.memory_space<vmem_shared>>
        %dma_start3A_127 = arith.constant 0 : i32
        %dma_start3A_128 = tpu.memref_slice %arg11[%mul3A_125, %dma_start3A_127] : memref<10000x128xf32, #tpu.memory_space<vmem_shared>> -> memref<80x128xf32, #tpu.memory_space<vmem_shared>>
        tpu.enqueue_dma source(%arg9 : memref<80x128xf32, #tpu.memory_space<vmem>>) target(%dma_start3A_128 : memref<80x128xf32, #tpu.memory_space<vmem_shared>>) target_semaphore(%run_scoped3A : memref<!tpu.dma_semaphore, #tpu.memory_space<semaphore_mem>>)
        %dma_wait3A = arith.constant 0 : i32
        %dma_wait3A_129 = tpu.memref_slice %arg11[%mul3A_125, %dma_wait3A] : memref<10000x128xf32, #tpu.memory_space<vmem_shared>> -> memref<80x128xf32, #tpu.memory_space<vmem_shared>>
        %dma_wait3A_130 = arith.constant 0 : i32
        %dma_wait3A_131 = tpu.memref_slice %arg11[%mul3A_125, %dma_wait3A_130] : memref<10000x128xf32, #tpu.memory_space<vmem_shared>> -> memref<80x128xf32, #tpu.memory_space<vmem_shared>>
        tpu.wait_dma2 semaphore(%run_scoped3A : memref<!tpu.dma_semaphore, #tpu.memory_space<semaphore_mem>>) src(%arg9 : memref<80x128xf32, #tpu.memory_space<vmem>>) dst(%dma_wait3A_131 : memref<80x128xf32, #tpu.memory_space<vmem_shared>>)
        tpu.yield
      }) : () -> ()
    } else {
    }
    %add3A_52 = arith.constant 112 : i32
    %add3A_53 = arith.addi %arg1, %add3A_52 : i32
    %lt3A_54 = arith.constant 125 : i32
    %lt3A_55 = arith.cmpi slt, %add3A_53, %lt3A_54 : i32
    %convert_element_type3A_56 = arith.extui %lt3A_55 : i1 to i32
    %cond3A_57 = arith.constant 0 : i32
    %cond3A_58 = arith.cmpi ne, %convert_element_type3A_56, %cond3A_57 : i32
    scf.if %cond3A_58 {
      %mul3A_124 = arith.constant 80 : i32
      %mul3A_125 = arith.muli %add3A_53, %mul3A_124 : i32
      "tpu.region"() ({
        %run_scoped3A = tpu.sem_alloc : memref<!tpu.dma_semaphore, #tpu.memory_space<semaphore_mem>>
        %dma_start3A = arith.constant 0 : i32
        %dma_start3A_126 = tpu.memref_slice %arg11[%mul3A_125, %dma_start3A] : memref<10000x128xf32, #tpu.memory_space<vmem_shared>> -> memref<80x128xf32, #tpu.memory_space<vmem_shared>>
        %dma_start3A_127 = arith.constant 0 : i32
        %dma_start3A_128 = tpu.memref_slice %arg11[%mul3A_125, %dma_start3A_127] : memref<10000x128xf32, #tpu.memory_space<vmem_shared>> -> memref<80x128xf32, #tpu.memory_space<vmem_shared>>
        tpu.enqueue_dma source(%arg9 : memref<80x128xf32, #tpu.memory_space<vmem>>) target(%dma_start3A_128 : memref<80x128xf32, #tpu.memory_space<vmem_shared>>) target_semaphore(%run_scoped3A : memref<!tpu.dma_semaphore, #tpu.memory_space<semaphore_mem>>)
        %dma_wait3A = arith.constant 0 : i32
        %dma_wait3A_129 = tpu.memref_slice %arg11[%mul3A_125, %dma_wait3A] : memref<10000x128xf32, #tpu.memory_space<vmem_shared>> -> memref<80x128xf32, #tpu.memory_space<vmem_shared>>
        %dma_wait3A_130 = arith.constant 0 : i32
        %dma_wait3A_131 = tpu.memref_slice %arg11[%mul3A_125, %dma_wait3A_130] : memref<10000x128xf32, #tpu.memory_space<vmem_shared>> -> memref<80x128xf32, #tpu.memory_space<vmem_shared>>
        tpu.wait_dma2 semaphore(%run_scoped3A : memref<!tpu.dma_semaphore, #tpu.memory_space<semaphore_mem>>) src(%arg9 : memref<80x128xf32, #tpu.memory_space<vmem>>) dst(%dma_wait3A_131 : memref<80x128xf32, #tpu.memory_space<vmem_shared>>)
        tpu.yield
      }) : () -> ()
    } else {
    }
    %barrier3A = arith.constant 0 : index
    tpu.barrier barrier_id(%barrier3A)
    %mul3A_59 = arith.constant 10000 : i32
    %mul3A_60 = arith.muli %add3A, %mul3A_59 : i32
    %scan3A_61 = arith.constant 0 : i32
    %scan3A_62 = arith.constant 0 : i32
    %scan3A_63 = arith.constant 125 : i32
    %scan3A_64 = arith.addi %scan3A_62, %scan3A_63 : i32
    %scan3A_65 = arith.constant 1 : i32
    scf.for %scan3A_124 = %scan3A_62 to %scan3A_64 step %scan3A_65  : i32 {
      %mul3A_125 = arith.constant 80 : i32
      %mul3A_126 = arith.muli %scan3A_124, %mul3A_125 : i32
      %add3A_127 = arith.addi %mul3A_60, %mul3A_126 : i32
      "tpu.region"() ({
        %run_scoped3A = tpu.sem_alloc : memref<!tpu.dma_semaphore, #tpu.memory_space<semaphore_mem>>
        %dma_start3A_138 = tpu.memref_slice %arg5[%add3A_127] : memref<320000xi32, #tpu.memory_space<hbm>> -> memref<80xi32, #tpu.memory_space<hbm>>
        %dma_start3A_139 = tpu.memref_slice %arg5[%add3A_127] : memref<320000xi32, #tpu.memory_space<hbm>> -> memref<80xi32, #tpu.memory_space<hbm>>
        tpu.enqueue_dma source(%dma_start3A_139 : memref<80xi32, #tpu.memory_space<hbm>>) target(%arg7 : memref<80xi32, #tpu.memory_space<vmem>>) target_semaphore(%run_scoped3A : memref<!tpu.dma_semaphore, #tpu.memory_space<semaphore_mem>>)
        %dma_wait3A_140 = tpu.memref_slice %arg5[%add3A_127] : memref<320000xi32, #tpu.memory_space<hbm>> -> memref<80xi32, #tpu.memory_space<hbm>>
        %dma_wait3A_141 = tpu.memref_slice %arg5[%add3A_127] : memref<320000xi32, #tpu.memory_space<hbm>> -> memref<80xi32, #tpu.memory_space<hbm>>
        tpu.wait_dma2 semaphore(%run_scoped3A : memref<!tpu.dma_semaphore, #tpu.memory_space<semaphore_mem>>) src(%dma_wait3A_141 : memref<80xi32, #tpu.memory_space<hbm>>) dst(%arg7 : memref<80xi32, #tpu.memory_space<vmem>>)
        tpu.yield
      }) : () -> ()
      "tpu.region"() ({
        %run_scoped3A = tpu.sem_alloc : memref<!tpu.dma_semaphore, #tpu.memory_space<semaphore_mem>>
        %dma_start3A_138 = tpu.memref_slice %arg4[%add3A_127] : memref<320000xi32, #tpu.memory_space<hbm>> -> memref<80xi32, #tpu.memory_space<hbm>>
        %dma_start3A_139 = tpu.memref_slice %arg4[%add3A_127] : memref<320000xi32, #tpu.memory_space<hbm>> -> memref<80xi32, #tpu.memory_space<hbm>>
        tpu.enqueue_dma source(%dma_start3A_139 : memref<80xi32, #tpu.memory_space<hbm>>) target(%arg8 : memref<80xi32, #tpu.memory_space<vmem>>) target_semaphore(%run_scoped3A : memref<!tpu.dma_semaphore, #tpu.memory_space<semaphore_mem>>)
        %dma_wait3A_140 = tpu.memref_slice %arg4[%add3A_127] : memref<320000xi32, #tpu.memory_space<hbm>> -> memref<80xi32, #tpu.memory_space<hbm>>
        %dma_wait3A_141 = tpu.memref_slice %arg4[%add3A_127] : memref<320000xi32, #tpu.memory_space<hbm>> -> memref<80xi32, #tpu.memory_space<hbm>>
        tpu.wait_dma2 semaphore(%run_scoped3A : memref<!tpu.dma_semaphore, #tpu.memory_space<semaphore_mem>>) src(%dma_wait3A_141 : memref<80xi32, #tpu.memory_space<hbm>>) dst(%arg8 : memref<80xi32, #tpu.memory_space<vmem>>)
        tpu.yield
      }) : () -> ()
      %dma_start3A = arith.constant 0 : i32
      %dma_start3A_128 = arith.constant 0 : i32
      %dma_start3A_129 = tpu.memref_slice %arg3[%dma_start3A, %dma_start3A_128] : memref<10000x128xf32, #tpu.memory_space<hbm>> -> memref<10000x128xf32, #tpu.memory_space<hbm>>
      tpu.enqueue_indirect_dma source(%dma_start3A_129 : memref<10000x128xf32, #tpu.memory_space<hbm>>) target(%arg10 : memref<80x128xf32, #tpu.memory_space<vmem>>) offsets(%arg7 : memref<80xi32, #tpu.memory_space<vmem>>) semaphore(%arg12 : memref<!tpu.dma_semaphore, #tpu.memory_space<semaphore_mem>>)
      "tpu.region"() ({
        %run_scoped3A = tpu.sem_alloc : memref<!tpu.dma_semaphore, #tpu.memory_space<semaphore_mem>>
        %dma_start3A_138 = arith.constant 0 : i32
        %dma_start3A_139 = tpu.memref_slice %arg2[%add3A_127, %dma_start3A_138] : memref<320000x128xf32, #tpu.memory_space<hbm>> -> memref<80x128xf32, #tpu.memory_space<hbm>>
        %dma_start3A_140 = arith.constant 0 : i32
        %dma_start3A_141 = tpu.memref_slice %arg2[%add3A_127, %dma_start3A_140] : memref<320000x128xf32, #tpu.memory_space<hbm>> -> memref<80x128xf32, #tpu.memory_space<hbm>>
        tpu.enqueue_dma source(%dma_start3A_141 : memref<80x128xf32, #tpu.memory_space<hbm>>) target(%arg9 : memref<80x128xf32, #tpu.memory_space<vmem>>) target_semaphore(%run_scoped3A : memref<!tpu.dma_semaphore, #tpu.memory_space<semaphore_mem>>)
        %dma_wait3A_142 = arith.constant 0 : i32
        %dma_wait3A_143 = tpu.memref_slice %arg2[%add3A_127, %dma_wait3A_142] : memref<320000x128xf32, #tpu.memory_space<hbm>> -> memref<80x128xf32, #tpu.memory_space<hbm>>
        %dma_wait3A_144 = arith.constant 0 : i32
        %dma_wait3A_145 = tpu.memref_slice %arg2[%add3A_127, %dma_wait3A_144] : memref<320000x128xf32, #tpu.memory_space<hbm>> -> memref<80x128xf32, #tpu.memory_space<hbm>>
        tpu.wait_dma2 semaphore(%run_scoped3A : memref<!tpu.dma_semaphore, #tpu.memory_space<semaphore_mem>>) src(%dma_wait3A_145 : memref<80x128xf32, #tpu.memory_space<hbm>>) dst(%arg9 : memref<80x128xf32, #tpu.memory_space<vmem>>)
        tpu.yield
      }) : () -> ()
      %dma_wait3A = arith.constant 0 : i32
      %dma_wait3A_130 = arith.constant 0 : i32
      %dma_wait3A_131 = tpu.memref_slice %arg3[%dma_wait3A, %dma_wait3A_130] : memref<10000x128xf32, #tpu.memory_space<hbm>> -> memref<10000x128xf32, #tpu.memory_space<hbm>>
      tpu.wait_indirect_dma semaphore(%arg12 : memref<!tpu.dma_semaphore, #tpu.memory_space<semaphore_mem>>) src(%dma_wait3A_131 : memref<10000x128xf32, #tpu.memory_space<hbm>>) dst(%arg10 : memref<80x128xf32, #tpu.memory_space<vmem>>)
      %scan3A_132 = arith.constant 0 : i32
      %scan3A_133 = arith.constant 0 : i32
      %scan3A_134 = arith.constant 80 : i32
      %scan3A_135 = arith.addi %scan3A_133, %scan3A_134 : i32
      %scan3A_136 = arith.constant 1 : i32
      scf.for %scan3A_138 = %scan3A_133 to %scan3A_135 step %scan3A_136  : i32 {
        %get3A = arith.index_cast %scan3A_138 : i32 to index
        %get3A_139 = arith.constant 0 : index
        %get3A_140 = tpu.vector_load %arg9[%get3A, %get3A_139] {strides = array<i32>} : memref<80x128xf32, #tpu.memory_space<vmem>>, vector<1x16xf32>,
        %get3A_141 = vector.shape_cast %get3A_140 : vector<1x16xf32> to vector<16xf32>
        %get3A_142 = arith.index_cast %scan3A_138 : i32 to index
        %get3A_143 = arith.constant 0 : index
        %get3A_144 = tpu.vector_load %arg10[%get3A_142, %get3A_143] {strides = array<i32>} : memref<80x128xf32, #tpu.memory_space<vmem>>, vector<1x16xf32>,
        %get3A_145 = vector.shape_cast %get3A_144 : vector<1x16xf32> to vector<16xf32>
        %mul3A_146 = arith.mulf %get3A_141, %get3A_145 : vector<16xf32>
        %swap3A = arith.index_cast %scan3A_138 : i32 to index
        %swap3A_147 = arith.constant 0 : index
        %swap3A_148 = tpu.vector_load %arg9[%swap3A, %swap3A_147] {strides = array<i32>} : memref<80x128xf32, #tpu.memory_space<vmem>>, vector<1x16xf32>,
        %swap3A_149 = vector.shape_cast %swap3A_148 : vector<1x16xf32> to vector<16xf32>
        %swap3A_150 = vector.shape_cast %mul3A_146 : vector<16xf32> to vector<1x16xf32>
        tpu.vector_store %arg9[%swap3A, %swap3A_147], %swap3A_150 {strides = array<i32>} : memref<80x128xf32, #tpu.memory_space<vmem>>, vector<1x16xf32>,
        %get3A_151 = arith.index_cast %scan3A_138 : i32 to index
        %get3A_152 = arith.constant 16 : index
        %get3A_153 = tpu.vector_load %arg9[%get3A_151, %get3A_152] {strides = array<i32>} : memref<80x128xf32, #tpu.memory_space<vmem>>, vector<1x16xf32>,
        %get3A_154 = vector.shape_cast %get3A_153 : vector<1x16xf32> to vector<16xf32>
        %get3A_155 = arith.index_cast %scan3A_138 : i32 to index
        %get3A_156 = arith.constant 16 : index
        %get3A_157 = tpu.vector_load %arg10[%get3A_155, %get3A_156] {strides = array<i32>} : memref<80x128xf32, #tpu.memory_space<vmem>>, vector<1x16xf32>,
        %get3A_158 = vector.shape_cast %get3A_157 : vector<1x16xf32> to vector<16xf32>
        %mul3A_159 = arith.mulf %get3A_154, %get3A_158 : vector<16xf32>
        %swap3A_160 = arith.index_cast %scan3A_138 : i32 to index
        %swap3A_161 = arith.constant 16 : index
        %swap3A_162 = tpu.vector_load %arg9[%swap3A_160, %swap3A_161] {strides = array<i32>} : memref<80x128xf32, #tpu.memory_space<vmem>>, vector<1x16xf32>,
        %swap3A_163 = vector.shape_cast %swap3A_162 : vector<1x16xf32> to vector<16xf32>
        %swap3A_164 = vector.shape_cast %mul3A_159 : vector<16xf32> to vector<1x16xf32>
        tpu.vector_store %arg9[%swap3A_160, %swap3A_161], %swap3A_164 {strides = array<i32>} : memref<80x128xf32, #tpu.memory_space<vmem>>, vector<1x16xf32>,
        %get3A_165 = arith.index_cast %scan3A_138 : i32 to index
        %get3A_166 = arith.constant 32 : index
        %get3A_167 = tpu.vector_load %arg9[%get3A_165, %get3A_166] {strides = array<i32>} : memref<80x128xf32, #tpu.memory_space<vmem>>, vector<1x16xf32>,
        %get3A_168 = vector.shape_cast %get3A_167 : vector<1x16xf32> to vector<16xf32>
        %get3A_169 = arith.index_cast %scan3A_138 : i32 to index
        %get3A_170 = arith.constant 32 : index
        %get3A_171 = tpu.vector_load %arg10[%get3A_169, %get3A_170] {strides = array<i32>} : memref<80x128xf32, #tpu.memory_space<vmem>>, vector<1x16xf32>,
        %get3A_172 = vector.shape_cast %get3A_171 : vector<1x16xf32> to vector<16xf32>
        %mul3A_173 = arith.mulf %get3A_168, %get3A_172 : vector<16xf32>
        %swap3A_174 = arith.index_cast %scan3A_138 : i32 to index
        %swap3A_175 = arith.constant 32 : index
        %swap3A_176 = tpu.vector_load %arg9[%swap3A_174, %swap3A_175] {strides = array<i32>} : memref<80x128xf32, #tpu.memory_space<vmem>>, vector<1x16xf32>,
        %swap3A_177 = vector.shape_cast %swap3A_176 : vector<1x16xf32> to vector<16xf32>
        %swap3A_178 = vector.shape_cast %mul3A_173 : vector<16xf32> to vector<1x16xf32>
        tpu.vector_store %arg9[%swap3A_174, %swap3A_175], %swap3A_178 {strides = array<i32>} : memref<80x128xf32, #tpu.memory_space<vmem>>, vector<1x16xf32>,
        %get3A_179 = arith.index_cast %scan3A_138 : i32 to index
        %get3A_180 = arith.constant 48 : index
        %get3A_181 = tpu.vector_load %arg9[%get3A_179, %get3A_180] {strides = array<i32>} : memref<80x128xf32, #tpu.memory_space<vmem>>, vector<1x16xf32>,
        %get3A_182 = vector.shape_cast %get3A_181 : vector<1x16xf32> to vector<16xf32>
        %get3A_183 = arith.index_cast %scan3A_138 : i32 to index
        %get3A_184 = arith.constant 48 : index
        %get3A_185 = tpu.vector_load %arg10[%get3A_183, %get3A_184] {strides = array<i32>} : memref<80x128xf32, #tpu.memory_space<vmem>>, vector<1x16xf32>,
        %get3A_186 = vector.shape_cast %get3A_185 : vector<1x16xf32> to vector<16xf32>
        %mul3A_187 = arith.mulf %get3A_182, %get3A_186 : vector<16xf32>
        %swap3A_188 = arith.index_cast %scan3A_138 : i32 to index
        %swap3A_189 = arith.constant 48 : index
        %swap3A_190 = tpu.vector_load %arg9[%swap3A_188, %swap3A_189] {strides = array<i32>} : memref<80x128xf32, #tpu.memory_space<vmem>>, vector<1x16xf32>,
        %swap3A_191 = vector.shape_cast %swap3A_190 : vector<1x16xf32> to vector<16xf32>
        %swap3A_192 = vector.shape_cast %mul3A_187 : vector<16xf32> to vector<1x16xf32>
        tpu.vector_store %arg9[%swap3A_188, %swap3A_189], %swap3A_192 {strides = array<i32>} : memref<80x128xf32, #tpu.memory_space<vmem>>, vector<1x16xf32>,
        %get3A_193 = arith.index_cast %scan3A_138 : i32 to index
        %get3A_194 = arith.constant 64 : index
        %get3A_195 = tpu.vector_load %arg9[%get3A_193, %get3A_194] {strides = array<i32>} : memref<80x128xf32, #tpu.memory_space<vmem>>, vector<1x16xf32>,
        %get3A_196 = vector.shape_cast %get3A_195 : vector<1x16xf32> to vector<16xf32>
        %get3A_197 = arith.index_cast %scan3A_138 : i32 to index
        %get3A_198 = arith.constant 64 : index
        %get3A_199 = tpu.vector_load %arg10[%get3A_197, %get3A_198] {strides = array<i32>} : memref<80x128xf32, #tpu.memory_space<vmem>>, vector<1x16xf32>,
        %get3A_200 = vector.shape_cast %get3A_199 : vector<1x16xf32> to vector<16xf32>
        %mul3A_201 = arith.mulf %get3A_196, %get3A_200 : vector<16xf32>
        %swap3A_202 = arith.index_cast %scan3A_138 : i32 to index
        %swap3A_203 = arith.constant 64 : index
        %swap3A_204 = tpu.vector_load %arg9[%swap3A_202, %swap3A_203] {strides = array<i32>} : memref<80x128xf32, #tpu.memory_space<vmem>>, vector<1x16xf32>,
        %swap3A_205 = vector.shape_cast %swap3A_204 : vector<1x16xf32> to vector<16xf32>
        %swap3A_206 = vector.shape_cast %mul3A_201 : vector<16xf32> to vector<1x16xf32>
        tpu.vector_store %arg9[%swap3A_202, %swap3A_203], %swap3A_206 {strides = array<i32>} : memref<80x128xf32, #tpu.memory_space<vmem>>, vector<1x16xf32>,
        %get3A_207 = arith.index_cast %scan3A_138 : i32 to index
        %get3A_208 = arith.constant 80 : index
        %get3A_209 = tpu.vector_load %arg9[%get3A_207, %get3A_208] {strides = array<i32>} : memref<80x128xf32, #tpu.memory_space<vmem>>, vector<1x16xf32>,
        %get3A_210 = vector.shape_cast %get3A_209 : vector<1x16xf32> to vector<16xf32>
        %get3A_211 = arith.index_cast %scan3A_138 : i32 to index
        %get3A_212 = arith.constant 80 : index
        %get3A_213 = tpu.vector_load %arg10[%get3A_211, %get3A_212] {strides = array<i32>} : memref<80x128xf32, #tpu.memory_space<vmem>>, vector<1x16xf32>,
        %get3A_214 = vector.shape_cast %get3A_213 : vector<1x16xf32> to vector<16xf32>
        %mul3A_215 = arith.mulf %get3A_210, %get3A_214 : vector<16xf32>
        %swap3A_216 = arith.index_cast %scan3A_138 : i32 to index
        %swap3A_217 = arith.constant 80 : index
        %swap3A_218 = tpu.vector_load %arg9[%swap3A_216, %swap3A_217] {strides = array<i32>} : memref<80x128xf32, #tpu.memory_space<vmem>>, vector<1x16xf32>,
        %swap3A_219 = vector.shape_cast %swap3A_218 : vector<1x16xf32> to vector<16xf32>
        %swap3A_220 = vector.shape_cast %mul3A_215 : vector<16xf32> to vector<1x16xf32>
        tpu.vector_store %arg9[%swap3A_216, %swap3A_217], %swap3A_220 {strides = array<i32>} : memref<80x128xf32, #tpu.memory_space<vmem>>, vector<1x16xf32>,
        %get3A_221 = arith.index_cast %scan3A_138 : i32 to index
        %get3A_222 = arith.constant 96 : index
        %get3A_223 = tpu.vector_load %arg9[%get3A_221, %get3A_222] {strides = array<i32>} : memref<80x128xf32, #tpu.memory_space<vmem>>, vector<1x16xf32>,
        %get3A_224 = vector.shape_cast %get3A_223 : vector<1x16xf32> to vector<16xf32>
        %get3A_225 = arith.index_cast %scan3A_138 : i32 to index
        %get3A_226 = arith.constant 96 : index
        %get3A_227 = tpu.vector_load %arg10[%get3A_225, %get3A_226] {strides = array<i32>} : memref<80x128xf32, #tpu.memory_space<vmem>>, vector<1x16xf32>,
        %get3A_228 = vector.shape_cast %get3A_227 : vector<1x16xf32> to vector<16xf32>
        %mul3A_229 = arith.mulf %get3A_224, %get3A_228 : vector<16xf32>
        %swap3A_230 = arith.index_cast %scan3A_138 : i32 to index
        %swap3A_231 = arith.constant 96 : index
        %swap3A_232 = tpu.vector_load %arg9[%swap3A_230, %swap3A_231] {strides = array<i32>} : memref<80x128xf32, #tpu.memory_space<vmem>>, vector<1x16xf32>,
        %swap3A_233 = vector.shape_cast %swap3A_232 : vector<1x16xf32> to vector<16xf32>
        %swap3A_234 = vector.shape_cast %mul3A_229 : vector<16xf32> to vector<1x16xf32>
        tpu.vector_store %arg9[%swap3A_230, %swap3A_231], %swap3A_234 {strides = array<i32>} : memref<80x128xf32, #tpu.memory_space<vmem>>, vector<1x16xf32>,
        %get3A_235 = arith.index_cast %scan3A_138 : i32 to index
        %get3A_236 = arith.constant 112 : index
        %get3A_237 = tpu.vector_load %arg9[%get3A_235, %get3A_236] {strides = array<i32>} : memref<80x128xf32, #tpu.memory_space<vmem>>, vector<1x16xf32>,
        %get3A_238 = vector.shape_cast %get3A_237 : vector<1x16xf32> to vector<16xf32>
        %get3A_239 = arith.index_cast %scan3A_138 : i32 to index
        %get3A_240 = arith.constant 112 : index
        %get3A_241 = tpu.vector_load %arg10[%get3A_239, %get3A_240] {strides = array<i32>} : memref<80x128xf32, #tpu.memory_space<vmem>>, vector<1x16xf32>,
        %get3A_242 = vector.shape_cast %get3A_241 : vector<1x16xf32> to vector<16xf32>
        %mul3A_243 = arith.mulf %get3A_238, %get3A_242 : vector<16xf32>
        %swap3A_244 = arith.index_cast %scan3A_138 : i32 to index
        %swap3A_245 = arith.constant 112 : index
        %swap3A_246 = tpu.vector_load %arg9[%swap3A_244, %swap3A_245] {strides = array<i32>} : memref<80x128xf32, #tpu.memory_space<vmem>>, vector<1x16xf32>,
        %swap3A_247 = vector.shape_cast %swap3A_246 : vector<1x16xf32> to vector<16xf32>
        %swap3A_248 = vector.shape_cast %mul3A_243 : vector<16xf32> to vector<1x16xf32>
        tpu.vector_store %arg9[%swap3A_244, %swap3A_245], %swap3A_248 {strides = array<i32>} : memref<80x128xf32, #tpu.memory_space<vmem>>, vector<1x16xf32>,
      }
      %scan3A_137 = arith.constant 80 : i32
      "tpu.region"() ({
        %run_scoped3A = tpu.sem_alloc : memref<!tpu.dma_semaphore, #tpu.memory_space<semaphore_mem>>
        %dma_start3A_138 = arith.constant 0 : i32
        %dma_start3A_139 = arith.constant 0 : i32
        %dma_start3A_140 = tpu.memref_slice %arg11[%dma_start3A_138, %dma_start3A_139] : memref<10000x128xf32, #tpu.memory_space<vmem_shared>> -> memref<10000x128xf32, #tpu.memory_space<vmem_shared>>
        tpu.enqueue_indirect_dma source(%arg9 : memref<80x128xf32, #tpu.memory_space<vmem>>) target(%dma_start3A_140 : memref<10000x128xf32, #tpu.memory_space<vmem_shared>>) offsets(%arg8 : memref<80xi32, #tpu.memory_space<vmem>>) semaphore(%run_scoped3A : memref<!tpu.dma_semaphore, #tpu.memory_space<semaphore_mem>>) {add = true}
        %dma_wait3A_141 = arith.constant 0 : i32
        %dma_wait3A_142 = arith.constant 0 : i32
        %dma_wait3A_143 = tpu.memref_slice %arg11[%dma_wait3A_141, %dma_wait3A_142] : memref<10000x128xf32, #tpu.memory_space<vmem_shared>> -> memref<10000x128xf32, #tpu.memory_space<vmem_shared>>
        tpu.wait_indirect_dma semaphore(%run_scoped3A : memref<!tpu.dma_semaphore, #tpu.memory_space<semaphore_mem>>) src(%arg9 : memref<80x128xf32, #tpu.memory_space<vmem>>) dst(%dma_wait3A_143 : memref<10000x128xf32, #tpu.memory_space<vmem_shared>>)
        tpu.yield
      }) : () -> ()
    }
    %scan3A_66 = arith.constant 125 : i32
    %barrier3A_67 = arith.constant 0 : index
    tpu.barrier barrier_id(%barrier3A_67)
    %add3A_68 = arith.constant 0 : i32
    %add3A_69 = arith.addi %arg1, %add3A_68 : i32
    %lt3A_70 = arith.constant 125 : i32
    %lt3A_71 = arith.cmpi slt, %add3A_69, %lt3A_70 : i32
    %convert_element_type3A_72 = arith.extui %lt3A_71 : i1 to i32
    %cond3A_73 = arith.constant 0 : i32
    %cond3A_74 = arith.cmpi ne, %convert_element_type3A_72, %cond3A_73 : i32
    scf.if %cond3A_74 {
      %mul3A_124 = arith.constant 80 : i32
      %mul3A_125 = arith.muli %add3A_69, %mul3A_124 : i32
      "tpu.region"() ({
        %run_scoped3A = tpu.sem_alloc : memref<!tpu.dma_semaphore, #tpu.memory_space<semaphore_mem>>
        %dma_start3A = arith.constant 0 : i32
        %dma_start3A_128 = tpu.memref_slice %arg11[%mul3A_125, %dma_start3A] : memref<10000x128xf32, #tpu.memory_space<vmem_shared>> -> memref<80x128xf32, #tpu.memory_space<vmem_shared>>
        %dma_start3A_129 = arith.constant 0 : i32
        %dma_start3A_130 = tpu.memref_slice %arg11[%mul3A_125, %dma_start3A_129] : memref<10000x128xf32, #tpu.memory_space<vmem_shared>> -> memref<80x128xf32, #tpu.memory_space<vmem_shared>>
        tpu.enqueue_dma source(%dma_start3A_130 : memref<80x128xf32, #tpu.memory_space<vmem_shared>>) target(%arg9 : memref<80x128xf32, #tpu.memory_space<vmem>>) target_semaphore(%run_scoped3A : memref<!tpu.dma_semaphore, #tpu.memory_space<semaphore_mem>>)
        %dma_wait3A = arith.constant 0 : i32
        %dma_wait3A_131 = tpu.memref_slice %arg11[%mul3A_125, %dma_wait3A] : memref<10000x128xf32, #tpu.memory_space<vmem_shared>> -> memref<80x128xf32, #tpu.memory_space<vmem_shared>>
        %dma_wait3A_132 = arith.constant 0 : i32
        %dma_wait3A_133 = tpu.memref_slice %arg11[%mul3A_125, %dma_wait3A_132] : memref<10000x128xf32, #tpu.memory_space<vmem_shared>> -> memref<80x128xf32, #tpu.memory_space<vmem_shared>>
        tpu.wait_dma2 semaphore(%run_scoped3A : memref<!tpu.dma_semaphore, #tpu.memory_space<semaphore_mem>>) src(%dma_wait3A_133 : memref<80x128xf32, #tpu.memory_space<vmem_shared>>) dst(%arg9 : memref<80x128xf32, #tpu.memory_space<vmem>>)
        tpu.yield
      }) : () -> ()
      %mul3A_126 = arith.constant 80 : i32
      %mul3A_127 = arith.muli %add3A_69, %mul3A_126 : i32
      "tpu.region"() ({
        %run_scoped3A = tpu.sem_alloc : memref<!tpu.dma_semaphore, #tpu.memory_space<semaphore_mem>>
        %dma_start3A = arith.constant 0 : i32
        %dma_start3A_128 = tpu.memref_slice %arg6[%arg0, %mul3A_127, %dma_start3A] : memref<2x10000x128xf32, #tpu.memory_space<hbm>> -> memref<1x80x128xf32, #tpu.memory_space<hbm>>
        %dma_start3A_129 = tpu.memref_squeeze %dma_start3A_128 : memref<1x80x128xf32, #tpu.memory_space<hbm>> -> memref<80x128xf32, #tpu.memory_space<hbm>>
        %dma_start3A_130 = arith.constant 0 : i32
        %dma_start3A_131 = tpu.memref_slice %arg6[%arg0, %mul3A_127, %dma_start3A_130] : memref<2x10000x128xf32, #tpu.memory_space<hbm>> -> memref<1x80x128xf32, #tpu.memory_space<hbm>>
        %dma_start3A_132 = tpu.memref_squeeze %dma_start3A_131 : memref<1x80x128xf32, #tpu.memory_space<hbm>> -> memref<80x128xf32, #tpu.memory_space<hbm>>
        tpu.enqueue_dma source(%arg9 : memref<80x128xf32, #tpu.memory_space<vmem>>) target(%dma_start3A_132 : memref<80x128xf32, #tpu.memory_space<hbm>>) target_semaphore(%run_scoped3A : memref<!tpu.dma_semaphore, #tpu.memory_space<semaphore_mem>>)
        %dma_wait3A = arith.constant 0 : i32
        %dma_wait3A_133 = tpu.memref_slice %arg6[%arg0, %mul3A_127, %dma_wait3A] : memref<2x10000x128xf32, #tpu.memory_space<hbm>> -> memref<1x80x128xf32, #tpu.memory_space<hbm>>
        %dma_wait3A_134 = tpu.memref_squeeze %dma_wait3A_133 : memref<1x80x128xf32, #tpu.memory_space<hbm>> -> memref<80x128xf32, #tpu.memory_space<hbm>>
        %dma_wait3A_135 = arith.constant 0 : i32
        %dma_wait3A_136 = tpu.memref_slice %arg6[%arg0, %mul3A_127, %dma_wait3A_135] : memref<2x10000x128xf32, #tpu.memory_space<hbm>> -> memref<1x80x128xf32, #tpu.memory_space<hbm>>
        %dma_wait3A_137 = tpu.memref_squeeze %dma_wait3A_136 : memref<1x80x128xf32, #tpu.memory_space<hbm>> -> memref<80x128xf32, #tpu.memory_space<hbm>>
        tpu.wait_dma2 semaphore(%run_scoped3A : memref<!tpu.dma_semaphore, #tpu.memory_space<semaphore_mem>>) src(%arg9 : memref<80x128xf32, #tpu.memory_space<vmem>>) dst(%dma_wait3A_137 : memref<80x128xf32, #tpu.memory_space<hbm>>)
        tpu.yield
      }) : () -> ()
    } else {
    }
    %add3A_75 = arith.constant 16 : i32
    %add3A_76 = arith.addi %arg1, %add3A_75 : i32
    %lt3A_77 = arith.constant 125 : i32
    %lt3A_78 = arith.cmpi slt, %add3A_76, %lt3A_77 : i32
    %convert_element_type3A_79 = arith.extui %lt3A_78 : i1 to i32
    %cond3A_80 = arith.constant 0 : i32
    %cond3A_81 = arith.cmpi ne, %convert_element_type3A_79, %cond3A_80 : i32
    scf.if %cond3A_81 {
      %mul3A_124 = arith.constant 80 : i32
      %mul3A_125 = arith.muli %add3A_76, %mul3A_124 : i32
      "tpu.region"() ({
        %run_scoped3A = tpu.sem_alloc : memref<!tpu.dma_semaphore, #tpu.memory_space<semaphore_mem>>
        %dma_start3A = arith.constant 0 : i32
        %dma_start3A_128 = tpu.memref_slice %arg11[%mul3A_125, %dma_start3A] : memref<10000x128xf32, #tpu.memory_space<vmem_shared>> -> memref<80x128xf32, #tpu.memory_space<vmem_shared>>
        %dma_start3A_129 = arith.constant 0 : i32
        %dma_start3A_130 = tpu.memref_slice %arg11[%mul3A_125, %dma_start3A_129] : memref<10000x128xf32, #tpu.memory_space<vmem_shared>> -> memref<80x128xf32, #tpu.memory_space<vmem_shared>>
        tpu.enqueue_dma source(%dma_start3A_130 : memref<80x128xf32, #tpu.memory_space<vmem_shared>>) target(%arg9 : memref<80x128xf32, #tpu.memory_space<vmem>>) target_semaphore(%run_scoped3A : memref<!tpu.dma_semaphore, #tpu.memory_space<semaphore_mem>>)
        %dma_wait3A = arith.constant 0 : i32
        %dma_wait3A_131 = tpu.memref_slice %arg11[%mul3A_125, %dma_wait3A] : memref<10000x128xf32, #tpu.memory_space<vmem_shared>> -> memref<80x128xf32, #tpu.memory_space<vmem_shared>>
        %dma_wait3A_132 = arith.constant 0 : i32
        %dma_wait3A_133 = tpu.memref_slice %arg11[%mul3A_125, %dma_wait3A_132] : memref<10000x128xf32, #tpu.memory_space<vmem_shared>> -> memref<80x128xf32, #tpu.memory_space<vmem_shared>>
        tpu.wait_dma2 semaphore(%run_scoped3A : memref<!tpu.dma_semaphore, #tpu.memory_space<semaphore_mem>>) src(%dma_wait3A_133 : memref<80x128xf32, #tpu.memory_space<vmem_shared>>) dst(%arg9 : memref<80x128xf32, #tpu.memory_space<vmem>>)
        tpu.yield
      }) : () -> ()
      %mul3A_126 = arith.constant 80 : i32
      %mul3A_127 = arith.muli %add3A_76, %mul3A_126 : i32
      "tpu.region"() ({
        %run_scoped3A = tpu.sem_alloc : memref<!tpu.dma_semaphore, #tpu.memory_space<semaphore_mem>>
        %dma_start3A = arith.constant 0 : i32
        %dma_start3A_128 = tpu.memref_slice %arg6[%arg0, %mul3A_127, %dma_start3A] : memref<2x10000x128xf32, #tpu.memory_space<hbm>> -> memref<1x80x128xf32, #tpu.memory_space<hbm>>
        %dma_start3A_129 = tpu.memref_squeeze %dma_start3A_128 : memref<1x80x128xf32, #tpu.memory_space<hbm>> -> memref<80x128xf32, #tpu.memory_space<hbm>>
        %dma_start3A_130 = arith.constant 0 : i32
        %dma_start3A_131 = tpu.memref_slice %arg6[%arg0, %mul3A_127, %dma_start3A_130] : memref<2x10000x128xf32, #tpu.memory_space<hbm>> -> memref<1x80x128xf32, #tpu.memory_space<hbm>>
        %dma_start3A_132 = tpu.memref_squeeze %dma_start3A_131 : memref<1x80x128xf32, #tpu.memory_space<hbm>> -> memref<80x128xf32, #tpu.memory_space<hbm>>
        tpu.enqueue_dma source(%arg9 : memref<80x128xf32, #tpu.memory_space<vmem>>) target(%dma_start3A_132 : memref<80x128xf32, #tpu.memory_space<hbm>>) target_semaphore(%run_scoped3A : memref<!tpu.dma_semaphore, #tpu.memory_space<semaphore_mem>>)
        %dma_wait3A = arith.constant 0 : i32
        %dma_wait3A_133 = tpu.memref_slice %arg6[%arg0, %mul3A_127, %dma_wait3A] : memref<2x10000x128xf32, #tpu.memory_space<hbm>> -> memref<1x80x128xf32, #tpu.memory_space<hbm>>
        %dma_wait3A_134 = tpu.memref_squeeze %dma_wait3A_133 : memref<1x80x128xf32, #tpu.memory_space<hbm>> -> memref<80x128xf32, #tpu.memory_space<hbm>>
        %dma_wait3A_135 = arith.constant 0 : i32
        %dma_wait3A_136 = tpu.memref_slice %arg6[%arg0, %mul3A_127, %dma_wait3A_135] : memref<2x10000x128xf32, #tpu.memory_space<hbm>> -> memref<1x80x128xf32, #tpu.memory_space<hbm>>
        %dma_wait3A_137 = tpu.memref_squeeze %dma_wait3A_136 : memref<1x80x128xf32, #tpu.memory_space<hbm>> -> memref<80x128xf32, #tpu.memory_space<hbm>>
        tpu.wait_dma2 semaphore(%run_scoped3A : memref<!tpu.dma_semaphore, #tpu.memory_space<semaphore_mem>>) src(%arg9 : memref<80x128xf32, #tpu.memory_space<vmem>>) dst(%dma_wait3A_137 : memref<80x128xf32, #tpu.memory_space<hbm>>)
        tpu.yield
      }) : () -> ()
    } else {
    }
    %add3A_82 = arith.constant 32 : i32
    %add3A_83 = arith.addi %arg1, %add3A_82 : i32
    %lt3A_84 = arith.constant 125 : i32
    %lt3A_85 = arith.cmpi slt, %add3A_83, %lt3A_84 : i32
    %convert_element_type3A_86 = arith.extui %lt3A_85 : i1 to i32
    %cond3A_87 = arith.constant 0 : i32
    %cond3A_88 = arith.cmpi ne, %convert_element_type3A_86, %cond3A_87 : i32
    scf.if %cond3A_88 {
      %mul3A_124 = arith.constant 80 : i32
      %mul3A_125 = arith.muli %add3A_83, %mul3A_124 : i32
      "tpu.region"() ({
        %run_scoped3A = tpu.sem_alloc : memref<!tpu.dma_semaphore, #tpu.memory_space<semaphore_mem>>
        %dma_start3A = arith.constant 0 : i32
        %dma_start3A_128 = tpu.memref_slice %arg11[%mul3A_125, %dma_start3A] : memref<10000x128xf32, #tpu.memory_space<vmem_shared>> -> memref<80x128xf32, #tpu.memory_space<vmem_shared>>
        %dma_start3A_129 = arith.constant 0 : i32
        %dma_start3A_130 = tpu.memref_slice %arg11[%mul3A_125, %dma_start3A_129] : memref<10000x128xf32, #tpu.memory_space<vmem_shared>> -> memref<80x128xf32, #tpu.memory_space<vmem_shared>>
        tpu.enqueue_dma source(%dma_start3A_130 : memref<80x128xf32, #tpu.memory_space<vmem_shared>>) target(%arg9 : memref<80x128xf32, #tpu.memory_space<vmem>>) target_semaphore(%run_scoped3A : memref<!tpu.dma_semaphore, #tpu.memory_space<semaphore_mem>>)
        %dma_wait3A = arith.constant 0 : i32
        %dma_wait3A_131 = tpu.memref_slice %arg11[%mul3A_125, %dma_wait3A] : memref<10000x128xf32, #tpu.memory_space<vmem_shared>> -> memref<80x128xf32, #tpu.memory_space<vmem_shared>>
        %dma_wait3A_132 = arith.constant 0 : i32
        %dma_wait3A_133 = tpu.memref_slice %arg11[%mul3A_125, %dma_wait3A_132] : memref<10000x128xf32, #tpu.memory_space<vmem_shared>> -> memref<80x128xf32, #tpu.memory_space<vmem_shared>>
        tpu.wait_dma2 semaphore(%run_scoped3A : memref<!tpu.dma_semaphore, #tpu.memory_space<semaphore_mem>>) src(%dma_wait3A_133 : memref<80x128xf32, #tpu.memory_space<vmem_shared>>) dst(%arg9 : memref<80x128xf32, #tpu.memory_space<vmem>>)
        tpu.yield
      }) : () -> ()
      %mul3A_126 = arith.constant 80 : i32
      %mul3A_127 = arith.muli %add3A_83, %mul3A_126 : i32
      "tpu.region"() ({
        %run_scoped3A = tpu.sem_alloc : memref<!tpu.dma_semaphore, #tpu.memory_space<semaphore_mem>>
        %dma_start3A = arith.constant 0 : i32
        %dma_start3A_128 = tpu.memref_slice %arg6[%arg0, %mul3A_127, %dma_start3A] : memref<2x10000x128xf32, #tpu.memory_space<hbm>> -> memref<1x80x128xf32, #tpu.memory_space<hbm>>
        %dma_start3A_129 = tpu.memref_squeeze %dma_start3A_128 : memref<1x80x128xf32, #tpu.memory_space<hbm>> -> memref<80x128xf32, #tpu.memory_space<hbm>>
        %dma_start3A_130 = arith.constant 0 : i32
        %dma_start3A_131 = tpu.memref_slice %arg6[%arg0, %mul3A_127, %dma_start3A_130] : memref<2x10000x128xf32, #tpu.memory_space<hbm>> -> memref<1x80x128xf32, #tpu.memory_space<hbm>>
        %dma_start3A_132 = tpu.memref_squeeze %dma_start3A_131 : memref<1x80x128xf32, #tpu.memory_space<hbm>> -> memref<80x128xf32, #tpu.memory_space<hbm>>
        tpu.enqueue_dma source(%arg9 : memref<80x128xf32, #tpu.memory_space<vmem>>) target(%dma_start3A_132 : memref<80x128xf32, #tpu.memory_space<hbm>>) target_semaphore(%run_scoped3A : memref<!tpu.dma_semaphore, #tpu.memory_space<semaphore_mem>>)
        %dma_wait3A = arith.constant 0 : i32
        %dma_wait3A_133 = tpu.memref_slice %arg6[%arg0, %mul3A_127, %dma_wait3A] : memref<2x10000x128xf32, #tpu.memory_space<hbm>> -> memref<1x80x128xf32, #tpu.memory_space<hbm>>
        %dma_wait3A_134 = tpu.memref_squeeze %dma_wait3A_133 : memref<1x80x128xf32, #tpu.memory_space<hbm>> -> memref<80x128xf32, #tpu.memory_space<hbm>>
        %dma_wait3A_135 = arith.constant 0 : i32
        %dma_wait3A_136 = tpu.memref_slice %arg6[%arg0, %mul3A_127, %dma_wait3A_135] : memref<2x10000x128xf32, #tpu.memory_space<hbm>> -> memref<1x80x128xf32, #tpu.memory_space<hbm>>
        %dma_wait3A_137 = tpu.memref_squeeze %dma_wait3A_136 : memref<1x80x128xf32, #tpu.memory_space<hbm>> -> memref<80x128xf32, #tpu.memory_space<hbm>>
        tpu.wait_dma2 semaphore(%run_scoped3A : memref<!tpu.dma_semaphore, #tpu.memory_space<semaphore_mem>>) src(%arg9 : memref<80x128xf32, #tpu.memory_space<vmem>>) dst(%dma_wait3A_137 : memref<80x128xf32, #tpu.memory_space<hbm>>)
        tpu.yield
      }) : () -> ()
    } else {
    }
    %add3A_89 = arith.constant 48 : i32
    %add3A_90 = arith.addi %arg1, %add3A_89 : i32
    %lt3A_91 = arith.constant 125 : i32
    %lt3A_92 = arith.cmpi slt, %add3A_90, %lt3A_91 : i32
    %convert_element_type3A_93 = arith.extui %lt3A_92 : i1 to i32
    %cond3A_94 = arith.constant 0 : i32
    %cond3A_95 = arith.cmpi ne, %convert_element_type3A_93, %cond3A_94 : i32
    scf.if %cond3A_95 {
      %mul3A_124 = arith.constant 80 : i32
      %mul3A_125 = arith.muli %add3A_90, %mul3A_124 : i32
      "tpu.region"() ({
        %run_scoped3A = tpu.sem_alloc : memref<!tpu.dma_semaphore, #tpu.memory_space<semaphore_mem>>
        %dma_start3A = arith.constant 0 : i32
        %dma_start3A_128 = tpu.memref_slice %arg11[%mul3A_125, %dma_start3A] : memref<10000x128xf32, #tpu.memory_space<vmem_shared>> -> memref<80x128xf32, #tpu.memory_space<vmem_shared>>
        %dma_start3A_129 = arith.constant 0 : i32
        %dma_start3A_130 = tpu.memref_slice %arg11[%mul3A_125, %dma_start3A_129] : memref<10000x128xf32, #tpu.memory_space<vmem_shared>> -> memref<80x128xf32, #tpu.memory_space<vmem_shared>>
        tpu.enqueue_dma source(%dma_start3A_130 : memref<80x128xf32, #tpu.memory_space<vmem_shared>>) target(%arg9 : memref<80x128xf32, #tpu.memory_space<vmem>>) target_semaphore(%run_scoped3A : memref<!tpu.dma_semaphore, #tpu.memory_space<semaphore_mem>>)
        %dma_wait3A = arith.constant 0 : i32
        %dma_wait3A_131 = tpu.memref_slice %arg11[%mul3A_125, %dma_wait3A] : memref<10000x128xf32, #tpu.memory_space<vmem_shared>> -> memref<80x128xf32, #tpu.memory_space<vmem_shared>>
        %dma_wait3A_132 = arith.constant 0 : i32
        %dma_wait3A_133 = tpu.memref_slice %arg11[%mul3A_125, %dma_wait3A_132] : memref<10000x128xf32, #tpu.memory_space<vmem_shared>> -> memref<80x128xf32, #tpu.memory_space<vmem_shared>>
        tpu.wait_dma2 semaphore(%run_scoped3A : memref<!tpu.dma_semaphore, #tpu.memory_space<semaphore_mem>>) src(%dma_wait3A_133 : memref<80x128xf32, #tpu.memory_space<vmem_shared>>) dst(%arg9 : memref<80x128xf32, #tpu.memory_space<vmem>>)
        tpu.yield
      }) : () -> ()
      %mul3A_126 = arith.constant 80 : i32
      %mul3A_127 = arith.muli %add3A_90, %mul3A_126 : i32
      "tpu.region"() ({
        %run_scoped3A = tpu.sem_alloc : memref<!tpu.dma_semaphore, #tpu.memory_space<semaphore_mem>>
        %dma_start3A = arith.constant 0 : i32
        %dma_start3A_128 = tpu.memref_slice %arg6[%arg0, %mul3A_127, %dma_start3A] : memref<2x10000x128xf32, #tpu.memory_space<hbm>> -> memref<1x80x128xf32, #tpu.memory_space<hbm>>
        %dma_start3A_129 = tpu.memref_squeeze %dma_start3A_128 : memref<1x80x128xf32, #tpu.memory_space<hbm>> -> memref<80x128xf32, #tpu.memory_space<hbm>>
        %dma_start3A_130 = arith.constant 0 : i32
        %dma_start3A_131 = tpu.memref_slice %arg6[%arg0, %mul3A_127, %dma_start3A_130] : memref<2x10000x128xf32, #tpu.memory_space<hbm>> -> memref<1x80x128xf32, #tpu.memory_space<hbm>>
        %dma_start3A_132 = tpu.memref_squeeze %dma_start3A_131 : memref<1x80x128xf32, #tpu.memory_space<hbm>> -> memref<80x128xf32, #tpu.memory_space<hbm>>
        tpu.enqueue_dma source(%arg9 : memref<80x128xf32, #tpu.memory_space<vmem>>) target(%dma_start3A_132 : memref<80x128xf32, #tpu.memory_space<hbm>>) target_semaphore(%run_scoped3A : memref<!tpu.dma_semaphore, #tpu.memory_space<semaphore_mem>>)
        %dma_wait3A = arith.constant 0 : i32
        %dma_wait3A_133 = tpu.memref_slice %arg6[%arg0, %mul3A_127, %dma_wait3A] : memref<2x10000x128xf32, #tpu.memory_space<hbm>> -> memref<1x80x128xf32, #tpu.memory_space<hbm>>
        %dma_wait3A_134 = tpu.memref_squeeze %dma_wait3A_133 : memref<1x80x128xf32, #tpu.memory_space<hbm>> -> memref<80x128xf32, #tpu.memory_space<hbm>>
        %dma_wait3A_135 = arith.constant 0 : i32
        %dma_wait3A_136 = tpu.memref_slice %arg6[%arg0, %mul3A_127, %dma_wait3A_135] : memref<2x10000x128xf32, #tpu.memory_space<hbm>> -> memref<1x80x128xf32, #tpu.memory_space<hbm>>
        %dma_wait3A_137 = tpu.memref_squeeze %dma_wait3A_136 : memref<1x80x128xf32, #tpu.memory_space<hbm>> -> memref<80x128xf32, #tpu.memory_space<hbm>>
        tpu.wait_dma2 semaphore(%run_scoped3A : memref<!tpu.dma_semaphore, #tpu.memory_space<semaphore_mem>>) src(%arg9 : memref<80x128xf32, #tpu.memory_space<vmem>>) dst(%dma_wait3A_137 : memref<80x128xf32, #tpu.memory_space<hbm>>)
        tpu.yield
      }) : () -> ()
    } else {
    }
    %add3A_96 = arith.constant 64 : i32
    %add3A_97 = arith.addi %arg1, %add3A_96 : i32
    %lt3A_98 = arith.constant 125 : i32
    %lt3A_99 = arith.cmpi slt, %add3A_97, %lt3A_98 : i32
    %convert_element_type3A_100 = arith.extui %lt3A_99 : i1 to i32
    %cond3A_101 = arith.constant 0 : i32
    %cond3A_102 = arith.cmpi ne, %convert_element_type3A_100, %cond3A_101 : i32
    scf.if %cond3A_102 {
      %mul3A_124 = arith.constant 80 : i32
      %mul3A_125 = arith.muli %add3A_97, %mul3A_124 : i32
      "tpu.region"() ({
        %run_scoped3A = tpu.sem_alloc : memref<!tpu.dma_semaphore, #tpu.memory_space<semaphore_mem>>
        %dma_start3A = arith.constant 0 : i32
        %dma_start3A_128 = tpu.memref_slice %arg11[%mul3A_125, %dma_start3A] : memref<10000x128xf32, #tpu.memory_space<vmem_shared>> -> memref<80x128xf32, #tpu.memory_space<vmem_shared>>
        %dma_start3A_129 = arith.constant 0 : i32
        %dma_start3A_130 = tpu.memref_slice %arg11[%mul3A_125, %dma_start3A_129] : memref<10000x128xf32, #tpu.memory_space<vmem_shared>> -> memref<80x128xf32, #tpu.memory_space<vmem_shared>>
        tpu.enqueue_dma source(%dma_start3A_130 : memref<80x128xf32, #tpu.memory_space<vmem_shared>>) target(%arg9 : memref<80x128xf32, #tpu.memory_space<vmem>>) target_semaphore(%run_scoped3A : memref<!tpu.dma_semaphore, #tpu.memory_space<semaphore_mem>>)
        %dma_wait3A = arith.constant 0 : i32
        %dma_wait3A_131 = tpu.memref_slice %arg11[%mul3A_125, %dma_wait3A] : memref<10000x128xf32, #tpu.memory_space<vmem_shared>> -> memref<80x128xf32, #tpu.memory_space<vmem_shared>>
        %dma_wait3A_132 = arith.constant 0 : i32
        %dma_wait3A_133 = tpu.memref_slice %arg11[%mul3A_125, %dma_wait3A_132] : memref<10000x128xf32, #tpu.memory_space<vmem_shared>> -> memref<80x128xf32, #tpu.memory_space<vmem_shared>>
        tpu.wait_dma2 semaphore(%run_scoped3A : memref<!tpu.dma_semaphore, #tpu.memory_space<semaphore_mem>>) src(%dma_wait3A_133 : memref<80x128xf32, #tpu.memory_space<vmem_shared>>) dst(%arg9 : memref<80x128xf32, #tpu.memory_space<vmem>>)
        tpu.yield
      }) : () -> ()
      %mul3A_126 = arith.constant 80 : i32
      %mul3A_127 = arith.muli %add3A_97, %mul3A_126 : i32
      "tpu.region"() ({
        %run_scoped3A = tpu.sem_alloc : memref<!tpu.dma_semaphore, #tpu.memory_space<semaphore_mem>>
        %dma_start3A = arith.constant 0 : i32
        %dma_start3A_128 = tpu.memref_slice %arg6[%arg0, %mul3A_127, %dma_start3A] : memref<2x10000x128xf32, #tpu.memory_space<hbm>> -> memref<1x80x128xf32, #tpu.memory_space<hbm>>
        %dma_start3A_129 = tpu.memref_squeeze %dma_start3A_128 : memref<1x80x128xf32, #tpu.memory_space<hbm>> -> memref<80x128xf32, #tpu.memory_space<hbm>>
        %dma_start3A_130 = arith.constant 0 : i32
        %dma_start3A_131 = tpu.memref_slice %arg6[%arg0, %mul3A_127, %dma_start3A_130] : memref<2x10000x128xf32, #tpu.memory_space<hbm>> -> memref<1x80x128xf32, #tpu.memory_space<hbm>>
        %dma_start3A_132 = tpu.memref_squeeze %dma_start3A_131 : memref<1x80x128xf32, #tpu.memory_space<hbm>> -> memref<80x128xf32, #tpu.memory_space<hbm>>
        tpu.enqueue_dma source(%arg9 : memref<80x128xf32, #tpu.memory_space<vmem>>) target(%dma_start3A_132 : memref<80x128xf32, #tpu.memory_space<hbm>>) target_semaphore(%run_scoped3A : memref<!tpu.dma_semaphore, #tpu.memory_space<semaphore_mem>>)
        %dma_wait3A = arith.constant 0 : i32
        %dma_wait3A_133 = tpu.memref_slice %arg6[%arg0, %mul3A_127, %dma_wait3A] : memref<2x10000x128xf32, #tpu.memory_space<hbm>> -> memref<1x80x128xf32, #tpu.memory_space<hbm>>
        %dma_wait3A_134 = tpu.memref_squeeze %dma_wait3A_133 : memref<1x80x128xf32, #tpu.memory_space<hbm>> -> memref<80x128xf32, #tpu.memory_space<hbm>>
        %dma_wait3A_135 = arith.constant 0 : i32
        %dma_wait3A_136 = tpu.memref_slice %arg6[%arg0, %mul3A_127, %dma_wait3A_135] : memref<2x10000x128xf32, #tpu.memory_space<hbm>> -> memref<1x80x128xf32, #tpu.memory_space<hbm>>
        %dma_wait3A_137 = tpu.memref_squeeze %dma_wait3A_136 : memref<1x80x128xf32, #tpu.memory_space<hbm>> -> memref<80x128xf32, #tpu.memory_space<hbm>>
        tpu.wait_dma2 semaphore(%run_scoped3A : memref<!tpu.dma_semaphore, #tpu.memory_space<semaphore_mem>>) src(%arg9 : memref<80x128xf32, #tpu.memory_space<vmem>>) dst(%dma_wait3A_137 : memref<80x128xf32, #tpu.memory_space<hbm>>)
        tpu.yield
      }) : () -> ()
    } else {
    }
    %add3A_103 = arith.constant 80 : i32
    %add3A_104 = arith.addi %arg1, %add3A_103 : i32
    %lt3A_105 = arith.constant 125 : i32
    %lt3A_106 = arith.cmpi slt, %add3A_104, %lt3A_105 : i32
    %convert_element_type3A_107 = arith.extui %lt3A_106 : i1 to i32
    %cond3A_108 = arith.constant 0 : i32
    %cond3A_109 = arith.cmpi ne, %convert_element_type3A_107, %cond3A_108 : i32
    scf.if %cond3A_109 {
      %mul3A_124 = arith.constant 80 : i32
      %mul3A_125 = arith.muli %add3A_104, %mul3A_124 : i32
      "tpu.region"() ({
        %run_scoped3A = tpu.sem_alloc : memref<!tpu.dma_semaphore, #tpu.memory_space<semaphore_mem>>
        %dma_start3A = arith.constant 0 : i32
        %dma_start3A_128 = tpu.memref_slice %arg11[%mul3A_125, %dma_start3A] : memref<10000x128xf32, #tpu.memory_space<vmem_shared>> -> memref<80x128xf32, #tpu.memory_space<vmem_shared>>
        %dma_start3A_129 = arith.constant 0 : i32
        %dma_start3A_130 = tpu.memref_slice %arg11[%mul3A_125, %dma_start3A_129] : memref<10000x128xf32, #tpu.memory_space<vmem_shared>> -> memref<80x128xf32, #tpu.memory_space<vmem_shared>>
        tpu.enqueue_dma source(%dma_start3A_130 : memref<80x128xf32, #tpu.memory_space<vmem_shared>>) target(%arg9 : memref<80x128xf32, #tpu.memory_space<vmem>>) target_semaphore(%run_scoped3A : memref<!tpu.dma_semaphore, #tpu.memory_space<semaphore_mem>>)
        %dma_wait3A = arith.constant 0 : i32
        %dma_wait3A_131 = tpu.memref_slice %arg11[%mul3A_125, %dma_wait3A] : memref<10000x128xf32, #tpu.memory_space<vmem_shared>> -> memref<80x128xf32, #tpu.memory_space<vmem_shared>>
        %dma_wait3A_132 = arith.constant 0 : i32
        %dma_wait3A_133 = tpu.memref_slice %arg11[%mul3A_125, %dma_wait3A_132] : memref<10000x128xf32, #tpu.memory_space<vmem_shared>> -> memref<80x128xf32, #tpu.memory_space<vmem_shared>>
        tpu.wait_dma2 semaphore(%run_scoped3A : memref<!tpu.dma_semaphore, #tpu.memory_space<semaphore_mem>>) src(%dma_wait3A_133 : memref<80x128xf32, #tpu.memory_space<vmem_shared>>) dst(%arg9 : memref<80x128xf32, #tpu.memory_space<vmem>>)
        tpu.yield
      }) : () -> ()
      %mul3A_126 = arith.constant 80 : i32
      %mul3A_127 = arith.muli %add3A_104, %mul3A_126 : i32
      "tpu.region"() ({
        %run_scoped3A = tpu.sem_alloc : memref<!tpu.dma_semaphore, #tpu.memory_space<semaphore_mem>>
        %dma_start3A = arith.constant 0 : i32
        %dma_start3A_128 = tpu.memref_slice %arg6[%arg0, %mul3A_127, %dma_start3A] : memref<2x10000x128xf32, #tpu.memory_space<hbm>> -> memref<1x80x128xf32, #tpu.memory_space<hbm>>
        %dma_start3A_129 = tpu.memref_squeeze %dma_start3A_128 : memref<1x80x128xf32, #tpu.memory_space<hbm>> -> memref<80x128xf32, #tpu.memory_space<hbm>>
        %dma_start3A_130 = arith.constant 0 : i32
        %dma_start3A_131 = tpu.memref_slice %arg6[%arg0, %mul3A_127, %dma_start3A_130] : memref<2x10000x128xf32, #tpu.memory_space<hbm>> -> memref<1x80x128xf32, #tpu.memory_space<hbm>>
        %dma_start3A_132 = tpu.memref_squeeze %dma_start3A_131 : memref<1x80x128xf32, #tpu.memory_space<hbm>> -> memref<80x128xf32, #tpu.memory_space<hbm>>
        tpu.enqueue_dma source(%arg9 : memref<80x128xf32, #tpu.memory_space<vmem>>) target(%dma_start3A_132 : memref<80x128xf32, #tpu.memory_space<hbm>>) target_semaphore(%run_scoped3A : memref<!tpu.dma_semaphore, #tpu.memory_space<semaphore_mem>>)
        %dma_wait3A = arith.constant 0 : i32
        %dma_wait3A_133 = tpu.memref_slice %arg6[%arg0, %mul3A_127, %dma_wait3A] : memref<2x10000x128xf32, #tpu.memory_space<hbm>> -> memref<1x80x128xf32, #tpu.memory_space<hbm>>
        %dma_wait3A_134 = tpu.memref_squeeze %dma_wait3A_133 : memref<1x80x128xf32, #tpu.memory_space<hbm>> -> memref<80x128xf32, #tpu.memory_space<hbm>>
        %dma_wait3A_135 = arith.constant 0 : i32
        %dma_wait3A_136 = tpu.memref_slice %arg6[%arg0, %mul3A_127, %dma_wait3A_135] : memref<2x10000x128xf32, #tpu.memory_space<hbm>> -> memref<1x80x128xf32, #tpu.memory_space<hbm>>
        %dma_wait3A_137 = tpu.memref_squeeze %dma_wait3A_136 : memref<1x80x128xf32, #tpu.memory_space<hbm>> -> memref<80x128xf32, #tpu.memory_space<hbm>>
        tpu.wait_dma2 semaphore(%run_scoped3A : memref<!tpu.dma_semaphore, #tpu.memory_space<semaphore_mem>>) src(%arg9 : memref<80x128xf32, #tpu.memory_space<vmem>>) dst(%dma_wait3A_137 : memref<80x128xf32, #tpu.memory_space<hbm>>)
        tpu.yield
      }) : () -> ()
    } else {
    }
    %add3A_110 = arith.constant 96 : i32
    %add3A_111 = arith.addi %arg1, %add3A_110 : i32
    %lt3A_112 = arith.constant 125 : i32
    %lt3A_113 = arith.cmpi slt, %add3A_111, %lt3A_112 : i32
    %convert_element_type3A_114 = arith.extui %lt3A_113 : i1 to i32
    %cond3A_115 = arith.constant 0 : i32
    %cond3A_116 = arith.cmpi ne, %convert_element_type3A_114, %cond3A_115 : i32
    scf.if %cond3A_116 {
      %mul3A_124 = arith.constant 80 : i32
      %mul3A_125 = arith.muli %add3A_111, %mul3A_124 : i32
      "tpu.region"() ({
        %run_scoped3A = tpu.sem_alloc : memref<!tpu.dma_semaphore, #tpu.memory_space<semaphore_mem>>
        %dma_start3A = arith.constant 0 : i32
        %dma_start3A_128 = tpu.memref_slice %arg11[%mul3A_125, %dma_start3A] : memref<10000x128xf32, #tpu.memory_space<vmem_shared>> -> memref<80x128xf32, #tpu.memory_space<vmem_shared>>
        %dma_start3A_129 = arith.constant 0 : i32
        %dma_start3A_130 = tpu.memref_slice %arg11[%mul3A_125, %dma_start3A_129] : memref<10000x128xf32, #tpu.memory_space<vmem_shared>> -> memref<80x128xf32, #tpu.memory_space<vmem_shared>>
        tpu.enqueue_dma source(%dma_start3A_130 : memref<80x128xf32, #tpu.memory_space<vmem_shared>>) target(%arg9 : memref<80x128xf32, #tpu.memory_space<vmem>>) target_semaphore(%run_scoped3A : memref<!tpu.dma_semaphore, #tpu.memory_space<semaphore_mem>>)
        %dma_wait3A = arith.constant 0 : i32
        %dma_wait3A_131 = tpu.memref_slice %arg11[%mul3A_125, %dma_wait3A] : memref<10000x128xf32, #tpu.memory_space<vmem_shared>> -> memref<80x128xf32, #tpu.memory_space<vmem_shared>>
        %dma_wait3A_132 = arith.constant 0 : i32
        %dma_wait3A_133 = tpu.memref_slice %arg11[%mul3A_125, %dma_wait3A_132] : memref<10000x128xf32, #tpu.memory_space<vmem_shared>> -> memref<80x128xf32, #tpu.memory_space<vmem_shared>>
        tpu.wait_dma2 semaphore(%run_scoped3A : memref<!tpu.dma_semaphore, #tpu.memory_space<semaphore_mem>>) src(%dma_wait3A_133 : memref<80x128xf32, #tpu.memory_space<vmem_shared>>) dst(%arg9 : memref<80x128xf32, #tpu.memory_space<vmem>>)
        tpu.yield
      }) : () -> ()
      %mul3A_126 = arith.constant 80 : i32
      %mul3A_127 = arith.muli %add3A_111, %mul3A_126 : i32
      "tpu.region"() ({
        %run_scoped3A = tpu.sem_alloc : memref<!tpu.dma_semaphore, #tpu.memory_space<semaphore_mem>>
        %dma_start3A = arith.constant 0 : i32
        %dma_start3A_128 = tpu.memref_slice %arg6[%arg0, %mul3A_127, %dma_start3A] : memref<2x10000x128xf32, #tpu.memory_space<hbm>> -> memref<1x80x128xf32, #tpu.memory_space<hbm>>
        %dma_start3A_129 = tpu.memref_squeeze %dma_start3A_128 : memref<1x80x128xf32, #tpu.memory_space<hbm>> -> memref<80x128xf32, #tpu.memory_space<hbm>>
        %dma_start3A_130 = arith.constant 0 : i32
        %dma_start3A_131 = tpu.memref_slice %arg6[%arg0, %mul3A_127, %dma_start3A_130] : memref<2x10000x128xf32, #tpu.memory_space<hbm>> -> memref<1x80x128xf32, #tpu.memory_space<hbm>>
        %dma_start3A_132 = tpu.memref_squeeze %dma_start3A_131 : memref<1x80x128xf32, #tpu.memory_space<hbm>> -> memref<80x128xf32, #tpu.memory_space<hbm>>
        tpu.enqueue_dma source(%arg9 : memref<80x128xf32, #tpu.memory_space<vmem>>) target(%dma_start3A_132 : memref<80x128xf32, #tpu.memory_space<hbm>>) target_semaphore(%run_scoped3A : memref<!tpu.dma_semaphore, #tpu.memory_space<semaphore_mem>>)
        %dma_wait3A = arith.constant 0 : i32
        %dma_wait3A_133 = tpu.memref_slice %arg6[%arg0, %mul3A_127, %dma_wait3A] : memref<2x10000x128xf32, #tpu.memory_space<hbm>> -> memref<1x80x128xf32, #tpu.memory_space<hbm>>
        %dma_wait3A_134 = tpu.memref_squeeze %dma_wait3A_133 : memref<1x80x128xf32, #tpu.memory_space<hbm>> -> memref<80x128xf32, #tpu.memory_space<hbm>>
        %dma_wait3A_135 = arith.constant 0 : i32
        %dma_wait3A_136 = tpu.memref_slice %arg6[%arg0, %mul3A_127, %dma_wait3A_135] : memref<2x10000x128xf32, #tpu.memory_space<hbm>> -> memref<1x80x128xf32, #tpu.memory_space<hbm>>
        %dma_wait3A_137 = tpu.memref_squeeze %dma_wait3A_136 : memref<1x80x128xf32, #tpu.memory_space<hbm>> -> memref<80x128xf32, #tpu.memory_space<hbm>>
        tpu.wait_dma2 semaphore(%run_scoped3A : memref<!tpu.dma_semaphore, #tpu.memory_space<semaphore_mem>>) src(%arg9 : memref<80x128xf32, #tpu.memory_space<vmem>>) dst(%dma_wait3A_137 : memref<80x128xf32, #tpu.memory_space<hbm>>)
        tpu.yield
      }) : () -> ()
    } else {
    }
    %add3A_117 = arith.constant 112 : i32
    %add3A_118 = arith.addi %arg1, %add3A_117 : i32
    %lt3A_119 = arith.constant 125 : i32
    %lt3A_120 = arith.cmpi slt, %add3A_118, %lt3A_119 : i32
    %convert_element_type3A_121 = arith.extui %lt3A_120 : i1 to i32
    %cond3A_122 = arith.constant 0 : i32
    %cond3A_123 = arith.cmpi ne, %convert_element_type3A_121, %cond3A_122 : i32
    scf.if %cond3A_123 {
      %mul3A_124 = arith.constant 80 : i32
      %mul3A_125 = arith.muli %add3A_118, %mul3A_124 : i32
      "tpu.region"() ({
        %run_scoped3A = tpu.sem_alloc : memref<!tpu.dma_semaphore, #tpu.memory_space<semaphore_mem>>
        %dma_start3A = arith.constant 0 : i32
        %dma_start3A_128 = tpu.memref_slice %arg11[%mul3A_125, %dma_start3A] : memref<10000x128xf32, #tpu.memory_space<vmem_shared>> -> memref<80x128xf32, #tpu.memory_space<vmem_shared>>
        %dma_start3A_129 = arith.constant 0 : i32
        %dma_start3A_130 = tpu.memref_slice %arg11[%mul3A_125, %dma_start3A_129] : memref<10000x128xf32, #tpu.memory_space<vmem_shared>> -> memref<80x128xf32, #tpu.memory_space<vmem_shared>>
        tpu.enqueue_dma source(%dma_start3A_130 : memref<80x128xf32, #tpu.memory_space<vmem_shared>>) target(%arg9 : memref<80x128xf32, #tpu.memory_space<vmem>>) target_semaphore(%run_scoped3A : memref<!tpu.dma_semaphore, #tpu.memory_space<semaphore_mem>>)
        %dma_wait3A = arith.constant 0 : i32
        %dma_wait3A_131 = tpu.memref_slice %arg11[%mul3A_125, %dma_wait3A] : memref<10000x128xf32, #tpu.memory_space<vmem_shared>> -> memref<80x128xf32, #tpu.memory_space<vmem_shared>>
        %dma_wait3A_132 = arith.constant 0 : i32
        %dma_wait3A_133 = tpu.memref_slice %arg11[%mul3A_125, %dma_wait3A_132] : memref<10000x128xf32, #tpu.memory_space<vmem_shared>> -> memref<80x128xf32, #tpu.memory_space<vmem_shared>>
        tpu.wait_dma2 semaphore(%run_scoped3A : memref<!tpu.dma_semaphore, #tpu.memory_space<semaphore_mem>>) src(%dma_wait3A_133 : memref<80x128xf32, #tpu.memory_space<vmem_shared>>) dst(%arg9 : memref<80x128xf32, #tpu.memory_space<vmem>>)
        tpu.yield
      }) : () -> ()
      %mul3A_126 = arith.constant 80 : i32
      %mul3A_127 = arith.muli %add3A_118, %mul3A_126 : i32
      "tpu.region"() ({
        %run_scoped3A = tpu.sem_alloc : memref<!tpu.dma_semaphore, #tpu.memory_space<semaphore_mem>>
        %dma_start3A = arith.constant 0 : i32
        %dma_start3A_128 = tpu.memref_slice %arg6[%arg0, %mul3A_127, %dma_start3A] : memref<2x10000x128xf32, #tpu.memory_space<hbm>> -> memref<1x80x128xf32, #tpu.memory_space<hbm>>
        %dma_start3A_129 = tpu.memref_squeeze %dma_start3A_128 : memref<1x80x128xf32, #tpu.memory_space<hbm>> -> memref<80x128xf32, #tpu.memory_space<hbm>>
        %dma_start3A_130 = arith.constant 0 : i32
        %dma_start3A_131 = tpu.memref_slice %arg6[%arg0, %mul3A_127, %dma_start3A_130] : memref<2x10000x128xf32, #tpu.memory_space<hbm>> -> memref<1x80x128xf32, #tpu.memory_space<hbm>>
        %dma_start3A_132 = tpu.memref_squeeze %dma_start3A_131 : memref<1x80x128xf32, #tpu.memory_space<hbm>> -> memref<80x128xf32, #tpu.memory_space<hbm>>
        tpu.enqueue_dma source(%arg9 : memref<80x128xf32, #tpu.memory_space<vmem>>) target(%dma_start3A_132 : memref<80x128xf32, #tpu.memory_space<hbm>>) target_semaphore(%run_scoped3A : memref<!tpu.dma_semaphore, #tpu.memory_space<semaphore_mem>>)
        %dma_wait3A = arith.constant 0 : i32
        %dma_wait3A_133 = tpu.memref_slice %arg6[%arg0, %mul3A_127, %dma_wait3A] : memref<2x10000x128xf32, #tpu.memory_space<hbm>> -> memref<1x80x128xf32, #tpu.memory_space<hbm>>
        %dma_wait3A_134 = tpu.memref_squeeze %dma_wait3A_133 : memref<1x80x128xf32, #tpu.memory_space<hbm>> -> memref<80x128xf32, #tpu.memory_space<hbm>>
        %dma_wait3A_135 = arith.constant 0 : i32
        %dma_wait3A_136 = tpu.memref_slice %arg6[%arg0, %mul3A_127, %dma_wait3A_135] : memref<2x10000x128xf32, #tpu.memory_space<hbm>> -> memref<1x80x128xf32, #tpu.memory_space<hbm>>
        %dma_wait3A_137 = tpu.memref_squeeze %dma_wait3A_136 : memref<1x80x128xf32, #tpu.memory_space<hbm>> -> memref<80x128xf32, #tpu.memory_space<hbm>>
        tpu.wait_dma2 semaphore(%run_scoped3A : memref<!tpu.dma_semaphore, #tpu.memory_space<semaphore_mem>>) src(%arg9 : memref<80x128xf32, #tpu.memory_space<vmem>>) dst(%dma_wait3A_137 : memref<80x128xf32, #tpu.memory_space<hbm>>)
        tpu.yield
      }) : () -> ()
    } else {
    }
    return
  }
}

module attributes {stable_mosaic.version = 14 : i64} {
  func.func @body(%arg0: i32, %arg1: memref<3200x64xf32, #tpu.memory_space<vmem>>, %arg2: memref<64x128xf32, #tpu.memory_space<vmem>>, %arg3: memref<3200x128xf32, #tpu.memory_space<vmem>>) attributes {dimension_semantics = [#tpu.dimension_semantics<arbitrary>], iteration_bounds = array<i64: 100>, scalar_prefetch = 0 : i64, scratch_operands = 0 : i64, tpu.core_type = #tpu.core_type<tc>, window_params = [{transform_indices = @transform_0, window_bounds = array<i64: 3200, 64>}, {pipeline_mode = #tpu.pipeline_mode<synchronous>, transform_indices = @transform_1, window_bounds = array<i64: 64, 128>}, {transform_indices = @transform_2, window_bounds = array<i64: 3200, 128>}]} {
    %get3A = arith.constant 0 : index
    %get3A_0 = arith.constant 0 : index
    %get3A_1 = vector.load %arg1[%get3A, %get3A_0] : memref<3200x64xf32, #tpu.memory_space<vmem>>, vector<3200x64xf32>
    %get3A_2 = arith.constant 0 : index
    %get3A_3 = arith.constant 0 : index
    %get3A_4 = vector.load %arg2[%get3A_2, %get3A_3] : memref<64x128xf32, #tpu.memory_space<vmem>>, vector<64x128xf32>
    %dot_general3A = arith.constant dense<0.000000e+00> : vector<3200x128xf32>
    %dot_general3A_5 = tpu.matmul %get3A_1, %get3A_4, %dot_general3A {dimension_numbers = #tpu.dot_dimension_numbers<[1], [0], [0], [1], [0, 0, 1, 1], [], []>, transpose_lhs_hint = false} : vector<3200x64xf32>, vector<64x128xf32>, vector<3200x128xf32> -> vector<3200x128xf32>
    %swap3A = arith.constant 0 : index
    %swap3A_6 = arith.constant 0 : index
    %swap3A_7 = vector.load %arg3[%swap3A, %swap3A_6] : memref<3200x128xf32, #tpu.memory_space<vmem>>, vector<3200x128xf32>
    tpu.vector_store %arg3[%swap3A, %swap3A_6], %dot_general3A_5 {strides = array<i32>} : memref<3200x128xf32, #tpu.memory_space<vmem>>, vector<3200x128xf32>,
    return
  }
  func.func @transform_0(%arg0: i32) -> (i32, i32) {
    %c0_i32 = arith.constant 0 : i32
    %c0_i32_0 = arith.constant 0 : i32
    return %arg0, %c0_i32 : i32, i32
  }
  func.func @transform_1(%arg0: i32) -> (i32, i32) {
    %c0_i32 = arith.constant 0 : i32
    %c0_i32_0 = arith.constant 0 : i32
    %c0_i32_1 = arith.constant 0 : i32
    return %c0_i32, %c0_i32_0 : i32, i32
  }
  func.func @transform_2(%arg0: i32) -> (i32, i32) {
    %c0_i32 = arith.constant 0 : i32
    %c0_i32_0 = arith.constant 0 : i32
    return %arg0, %c0_i32 : i32, i32
  }
}

module attributes {stable_mosaic.version = 14 : i64} {
  func.func @body(%arg0: i32, %arg1: memref<2000x128xf32, #tpu.memory_space<vmem>>, %arg2: memref<2x2000x128xf32, #tpu.memory_space<vmem>>, %arg3: memref<128x128xf32, #tpu.memory_space<vmem>>, %arg4: memref<1x128xf32, #tpu.memory_space<vmem>>, %arg5: memref<2x128x128xf32, #tpu.memory_space<vmem>>, %arg6: memref<2x128xf32, #tpu.memory_space<vmem>>, %arg7: memref<2x128x128xf32, #tpu.memory_space<vmem>>, %arg8: memref<2x128xf32, #tpu.memory_space<vmem>>, %arg9: memref<128x128xf32, #tpu.memory_space<vmem>>, %arg10: memref<1x128xf32, #tpu.memory_space<vmem>>, %arg11: memref<1x128xf32, #tpu.memory_space<vmem>>, %arg12: memref<2x128x128xf32, #tpu.memory_space<vmem>>, %arg13: memref<2x128xf32, #tpu.memory_space<vmem>>, %arg14: memref<2x128x128xf32, #tpu.memory_space<vmem>>, %arg15: memref<2x128xf32, #tpu.memory_space<vmem>>, %arg16: memref<2000x128xf32, #tpu.memory_space<vmem>>) attributes {dimension_semantics = [#tpu.dimension_semantics<arbitrary>], iteration_bounds = array<i64: 5>, scalar_prefetch = 0 : i64, scratch_operands = 0 : i64, tpu.core_type = #tpu.core_type<tc>, window_params = [{transform_indices = @transform_0, window_bounds = array<i64: 2000, 128>}, {transform_indices = @transform_1, window_bounds = array<i64: 2, 2000, 128>}, {pipeline_mode = #tpu.pipeline_mode<synchronous>, transform_indices = @transform_2, window_bounds = array<i64: 128, 128>}, {pipeline_mode = #tpu.pipeline_mode<synchronous>, transform_indices = @transform_3, window_bounds = array<i64: 1, 128>}, {pipeline_mode = #tpu.pipeline_mode<synchronous>, transform_indices = @transform_4, window_bounds = array<i64: 2, 128, 128>}, {pipeline_mode = #tpu.pipeline_mode<synchronous>, transform_indices = @transform_5, window_bounds = array<i64: 2, 128>}, {pipeline_mode = #tpu.pipeline_mode<synchronous>, transform_indices = @transform_6, window_bounds = array<i64: 2, 128, 128>}, {pipeline_mode = #tpu.pipeline_mode<synchronous>, transform_indices = @transform_7, window_bounds = array<i64: 2, 128>}, {pipeline_mode = #tpu.pipeline_mode<synchronous>, transform_indices = @transform_8, window_bounds = array<i64: 128, 128>}, {pipeline_mode = #tpu.pipeline_mode<synchronous>, transform_indices = @transform_9, window_bounds = array<i64: 1, 128>}, {pipeline_mode = #tpu.pipeline_mode<synchronous>, transform_indices = @transform_10, window_bounds = array<i64: 1, 128>}, {pipeline_mode = #tpu.pipeline_mode<synchronous>, transform_indices = @transform_11, window_bounds = array<i64: 2, 128, 128>}, {pipeline_mode = #tpu.pipeline_mode<synchronous>, transform_indices = @transform_12, window_bounds = array<i64: 2, 128>}, {pipeline_mode = #tpu.pipeline_mode<synchronous>, transform_indices = @transform_13, window_bounds = array<i64: 2, 128, 128>}, {pipeline_mode = #tpu.pipeline_mode<synchronous>, transform_indices = @transform_14, window_bounds = array<i64: 2, 128>}, {transform_indices = @transform_15, window_bounds = array<i64: 2000, 128>}]} {
    %get3A = arith.constant 0 : index
    %get3A_0 = arith.constant 0 : index
    %get3A_1 = vector.load %arg1[%get3A, %get3A_0] : memref<2000x128xf32, #tpu.memory_space<vmem>>, vector<2000x128xf32>
    %get3A_2 = arith.constant 0 : index
    %get3A_3 = arith.constant 0 : index
    %get3A_4 = arith.constant 0 : index
    %get3A_5 = vector.load %arg2[%get3A_2, %get3A_3, %get3A_4] : memref<2x2000x128xf32, #tpu.memory_space<vmem>>, vector<2x2000x128xf32>
    %get3A_6 = arith.constant 0 : index
    %get3A_7 = arith.constant 0 : index
    %get3A_8 = vector.load %arg3[%get3A_6, %get3A_7] : memref<128x128xf32, #tpu.memory_space<vmem>>, vector<128x128xf32>
    %dot_general3A = arith.constant dense<0.000000e+00> : vector<2000x128xf32>
    %dot_general3A_9 = tpu.matmul %get3A_1, %get3A_8, %dot_general3A {dimension_numbers = #tpu.dot_dimension_numbers<[1], [0], [0], [1], [0, 0, 1, 1], [], []>, transpose_lhs_hint = false} : vector<2000x128xf32>, vector<128x128xf32>, vector<2000x128xf32> -> vector<2000x128xf32>
    %get3A_10 = arith.constant 0 : index
    %get3A_11 = arith.constant 0 : index
    %get3A_12 = vector.load %arg4[%get3A_10, %get3A_11] : memref<1x128xf32, #tpu.memory_space<vmem>>, vector<1x128xf32>
    %add3A = vector.broadcast %get3A_12 : vector<1x128xf32> to vector<2000x128xf32>
    %add3A_13 = arith.addf %dot_general3A_9, %add3A : vector<2000x128xf32>
    %slice3A = vector.extract_strided_slice %get3A_5 {offsets = [0, 0, 0], sizes = [1, 2000, 128], strides = [1, 1, 1]} : vector<2x2000x128xf32> to vector<1x2000x128xf32>
    %squeeze3A = vector.shape_cast %slice3A : vector<1x2000x128xf32> to vector<2000x128xf32>
    %add3A_14 = arith.addf %add3A_13, %squeeze3A : vector<2000x128xf32>
    %slice3A_15 = vector.extract_strided_slice %get3A_5 {offsets = [1, 0, 0], sizes = [1, 2000, 128], strides = [1, 1, 1]} : vector<2x2000x128xf32> to vector<1x2000x128xf32>
    %squeeze3A_16 = vector.shape_cast %slice3A_15 : vector<1x2000x128xf32> to vector<2000x128xf32>
    %add3A_17 = arith.addf %add3A_14, %squeeze3A_16 : vector<2000x128xf32>
    %get3A_18 = arith.constant 0 : index
    %get3A_19 = arith.constant 0 : index
    %get3A_20 = arith.constant 0 : index
    %get3A_21 = vector.load %arg5[%get3A_18, %get3A_19, %get3A_20] : memref<2x128x128xf32, #tpu.memory_space<vmem>>, vector<1x128x128xf32>
    %get3A_22 = vector.shape_cast %get3A_21 : vector<1x128x128xf32> to vector<128x128xf32>
    %dot_general3A_23 = arith.constant dense<0.000000e+00> : vector<2000x128xf32>
    %dot_general3A_24 = tpu.matmul %add3A_17, %get3A_22, %dot_general3A_23 {dimension_numbers = #tpu.dot_dimension_numbers<[1], [0], [0], [1], [0, 0, 1, 1], [], []>, transpose_lhs_hint = false} : vector<2000x128xf32>, vector<128x128xf32>, vector<2000x128xf32> -> vector<2000x128xf32>
    %get3A_25 = arith.constant 0 : index
    %get3A_26 = arith.constant 0 : index
    %get3A_27 = vector.load %arg6[%get3A_25, %get3A_26] : memref<2x128xf32, #tpu.memory_space<vmem>>, vector<2x128xf32>
    %slice3A_28 = vector.extract_strided_slice %get3A_27 {offsets = [0, 0], sizes = [1, 128], strides = [1, 1]} : vector<2x128xf32> to vector<1x128xf32>
    %squeeze3A_29 = vector.shape_cast %slice3A_28 : vector<1x128xf32> to vector<128xf32>
    %reshape3A = vector.shape_cast %squeeze3A_29 : vector<128xf32> to vector<1x128xf32>
    %add3A_30 = vector.broadcast %reshape3A : vector<1x128xf32> to vector<2000x128xf32>
    %add3A_31 = arith.addf %dot_general3A_24, %add3A_30 : vector<2000x128xf32>
    %get3A_32 = arith.constant 0 : index
    %get3A_33 = arith.constant 0 : index
    %get3A_34 = arith.constant 0 : index
    %get3A_35 = vector.load %arg7[%get3A_32, %get3A_33, %get3A_34] : memref<2x128x128xf32, #tpu.memory_space<vmem>>, vector<1x128x128xf32>
    %get3A_36 = vector.shape_cast %get3A_35 : vector<1x128x128xf32> to vector<128x128xf32>
    %dot_general3A_37 = arith.constant dense<0.000000e+00> : vector<2000x128xf32>
    %dot_general3A_38 = tpu.matmul %add3A_31, %get3A_36, %dot_general3A_37 {dimension_numbers = #tpu.dot_dimension_numbers<[1], [0], [0], [1], [0, 0, 1, 1], [], []>, transpose_lhs_hint = false} : vector<2000x128xf32>, vector<128x128xf32>, vector<2000x128xf32> -> vector<2000x128xf32>
    %get3A_39 = arith.constant 0 : index
    %get3A_40 = arith.constant 0 : index
    %get3A_41 = vector.load %arg8[%get3A_39, %get3A_40] : memref<2x128xf32, #tpu.memory_space<vmem>>, vector<2x128xf32>
    %slice3A_42 = vector.extract_strided_slice %get3A_41 {offsets = [0, 0], sizes = [1, 128], strides = [1, 1]} : vector<2x128xf32> to vector<1x128xf32>
    %squeeze3A_43 = vector.shape_cast %slice3A_42 : vector<1x128xf32> to vector<128xf32>
    %reshape3A_44 = vector.shape_cast %squeeze3A_43 : vector<128xf32> to vector<1x128xf32>
    %add3A_45 = vector.broadcast %reshape3A_44 : vector<1x128xf32> to vector<2000x128xf32>
    %add3A_46 = arith.addf %dot_general3A_38, %add3A_45 : vector<2000x128xf32>
    %add3A_47 = arith.addf %add3A_17, %add3A_46 : vector<2000x128xf32>
    %get3A_48 = arith.constant 1 : index
    %get3A_49 = arith.constant 0 : index
    %get3A_50 = arith.constant 0 : index
    %get3A_51 = vector.load %arg5[%get3A_48, %get3A_49, %get3A_50] : memref<2x128x128xf32, #tpu.memory_space<vmem>>, vector<1x128x128xf32>
    %get3A_52 = vector.shape_cast %get3A_51 : vector<1x128x128xf32> to vector<128x128xf32>
    %dot_general3A_53 = arith.constant dense<0.000000e+00> : vector<2000x128xf32>
    %dot_general3A_54 = tpu.matmul %add3A_47, %get3A_52, %dot_general3A_53 {dimension_numbers = #tpu.dot_dimension_numbers<[1], [0], [0], [1], [0, 0, 1, 1], [], []>, transpose_lhs_hint = false} : vector<2000x128xf32>, vector<128x128xf32>, vector<2000x128xf32> -> vector<2000x128xf32>
    %get3A_55 = arith.constant 0 : index
    %get3A_56 = arith.constant 0 : index
    %get3A_57 = vector.load %arg6[%get3A_55, %get3A_56] : memref<2x128xf32, #tpu.memory_space<vmem>>, vector<2x128xf32>
    %slice3A_58 = vector.extract_strided_slice %get3A_57 {offsets = [1, 0], sizes = [1, 128], strides = [1, 1]} : vector<2x128xf32> to vector<1x128xf32>
    %squeeze3A_59 = vector.shape_cast %slice3A_58 : vector<1x128xf32> to vector<128xf32>
    %reshape3A_60 = vector.shape_cast %squeeze3A_59 : vector<128xf32> to vector<1x128xf32>
    %add3A_61 = vector.broadcast %reshape3A_60 : vector<1x128xf32> to vector<2000x128xf32>
    %add3A_62 = arith.addf %dot_general3A_54, %add3A_61 : vector<2000x128xf32>
    %get3A_63 = arith.constant 1 : index
    %get3A_64 = arith.constant 0 : index
    %get3A_65 = arith.constant 0 : index
    %get3A_66 = vector.load %arg7[%get3A_63, %get3A_64, %get3A_65] : memref<2x128x128xf32, #tpu.memory_space<vmem>>, vector<1x128x128xf32>
    %get3A_67 = vector.shape_cast %get3A_66 : vector<1x128x128xf32> to vector<128x128xf32>
    %dot_general3A_68 = arith.constant dense<0.000000e+00> : vector<2000x128xf32>
    %dot_general3A_69 = tpu.matmul %add3A_62, %get3A_67, %dot_general3A_68 {dimension_numbers = #tpu.dot_dimension_numbers<[1], [0], [0], [1], [0, 0, 1, 1], [], []>, transpose_lhs_hint = false} : vector<2000x128xf32>, vector<128x128xf32>, vector<2000x128xf32> -> vector<2000x128xf32>
    %get3A_70 = arith.constant 0 : index
    %get3A_71 = arith.constant 0 : index
    %get3A_72 = vector.load %arg8[%get3A_70, %get3A_71] : memref<2x128xf32, #tpu.memory_space<vmem>>, vector<2x128xf32>
    %slice3A_73 = vector.extract_strided_slice %get3A_72 {offsets = [1, 0], sizes = [1, 128], strides = [1, 1]} : vector<2x128xf32> to vector<1x128xf32>
    %squeeze3A_74 = vector.shape_cast %slice3A_73 : vector<1x128xf32> to vector<128xf32>
    %reshape3A_75 = vector.shape_cast %squeeze3A_74 : vector<128xf32> to vector<1x128xf32>
    %add3A_76 = vector.broadcast %reshape3A_75 : vector<1x128xf32> to vector<2000x128xf32>
    %add3A_77 = arith.addf %dot_general3A_69, %add3A_76 : vector<2000x128xf32>
    %add3A_78 = arith.addf %add3A_47, %add3A_77 : vector<2000x128xf32>
    %get3A_79 = arith.constant 0 : index
    %get3A_80 = arith.constant 0 : index
    %get3A_81 = vector.load %arg11[%get3A_79, %get3A_80] : memref<1x128xf32, #tpu.memory_space<vmem>>, vector<1x128xf32>
    %mul3A = vector.broadcast %get3A_81 : vector<1x128xf32> to vector<2000x128xf32>
    %mul3A_82 = arith.mulf %mul3A, %get3A_1 : vector<2000x128xf32>
    %get3A_83 = arith.constant 0 : index
    %get3A_84 = arith.constant 0 : index
    %get3A_85 = vector.load %arg9[%get3A_83, %get3A_84] : memref<128x128xf32, #tpu.memory_space<vmem>>, vector<128x128xf32>
    %dot_general3A_86 = arith.constant dense<0.000000e+00> : vector<2000x128xf32>
    %dot_general3A_87 = tpu.matmul %add3A_78, %get3A_85, %dot_general3A_86 {dimension_numbers = #tpu.dot_dimension_numbers<[1], [0], [0], [1], [0, 0, 1, 1], [], []>, transpose_lhs_hint = false} : vector<2000x128xf32>, vector<128x128xf32>, vector<2000x128xf32> -> vector<2000x128xf32>
    %get3A_88 = arith.constant 0 : index
    %get3A_89 = arith.constant 0 : index
    %get3A_90 = vector.load %arg10[%get3A_88, %get3A_89] : memref<1x128xf32, #tpu.memory_space<vmem>>, vector<1x128xf32>
    %add3A_91 = vector.broadcast %get3A_90 : vector<1x128xf32> to vector<2000x128xf32>
    %add3A_92 = arith.addf %dot_general3A_87, %add3A_91 : vector<2000x128xf32>
    %add3A_93 = arith.addf %mul3A_82, %add3A_92 : vector<2000x128xf32>
    %get3A_94 = arith.constant 0 : index
    %get3A_95 = arith.constant 0 : index
    %get3A_96 = arith.constant 0 : index
    %get3A_97 = vector.load %arg12[%get3A_94, %get3A_95, %get3A_96] : memref<2x128x128xf32, #tpu.memory_space<vmem>>, vector<1x128x128xf32>
    %get3A_98 = vector.shape_cast %get3A_97 : vector<1x128x128xf32> to vector<128x128xf32>
    %dot_general3A_99 = arith.constant dense<0.000000e+00> : vector<2000x128xf32>
    %dot_general3A_100 = tpu.matmul %add3A_93, %get3A_98, %dot_general3A_99 {dimension_numbers = #tpu.dot_dimension_numbers<[1], [0], [0], [1], [0, 0, 1, 1], [], []>, transpose_lhs_hint = false} : vector<2000x128xf32>, vector<128x128xf32>, vector<2000x128xf32> -> vector<2000x128xf32>
    %get3A_101 = arith.constant 0 : index
    %get3A_102 = arith.constant 0 : index
    %get3A_103 = vector.load %arg13[%get3A_101, %get3A_102] : memref<2x128xf32, #tpu.memory_space<vmem>>, vector<2x128xf32>
    %slice3A_104 = vector.extract_strided_slice %get3A_103 {offsets = [0, 0], sizes = [1, 128], strides = [1, 1]} : vector<2x128xf32> to vector<1x128xf32>
    %squeeze3A_105 = vector.shape_cast %slice3A_104 : vector<1x128xf32> to vector<128xf32>
    %reshape3A_106 = vector.shape_cast %squeeze3A_105 : vector<128xf32> to vector<1x128xf32>
    %add3A_107 = vector.broadcast %reshape3A_106 : vector<1x128xf32> to vector<2000x128xf32>
    %add3A_108 = arith.addf %dot_general3A_100, %add3A_107 : vector<2000x128xf32>
    %get3A_109 = arith.constant 0 : index
    %get3A_110 = arith.constant 0 : index
    %get3A_111 = arith.constant 0 : index
    %get3A_112 = vector.load %arg14[%get3A_109, %get3A_110, %get3A_111] : memref<2x128x128xf32, #tpu.memory_space<vmem>>, vector<1x128x128xf32>
    %get3A_113 = vector.shape_cast %get3A_112 : vector<1x128x128xf32> to vector<128x128xf32>
    %dot_general3A_114 = arith.constant dense<0.000000e+00> : vector<2000x128xf32>
    %dot_general3A_115 = tpu.matmul %add3A_108, %get3A_113, %dot_general3A_114 {dimension_numbers = #tpu.dot_dimension_numbers<[1], [0], [0], [1], [0, 0, 1, 1], [], []>, transpose_lhs_hint = false} : vector<2000x128xf32>, vector<128x128xf32>, vector<2000x128xf32> -> vector<2000x128xf32>
    %get3A_116 = arith.constant 0 : index
    %get3A_117 = arith.constant 0 : index
    %get3A_118 = vector.load %arg15[%get3A_116, %get3A_117] : memref<2x128xf32, #tpu.memory_space<vmem>>, vector<2x128xf32>
    %slice3A_119 = vector.extract_strided_slice %get3A_118 {offsets = [0, 0], sizes = [1, 128], strides = [1, 1]} : vector<2x128xf32> to vector<1x128xf32>
    %squeeze3A_120 = vector.shape_cast %slice3A_119 : vector<1x128xf32> to vector<128xf32>
    %reshape3A_121 = vector.shape_cast %squeeze3A_120 : vector<128xf32> to vector<1x128xf32>
    %add3A_122 = vector.broadcast %reshape3A_121 : vector<1x128xf32> to vector<2000x128xf32>
    %add3A_123 = arith.addf %dot_general3A_115, %add3A_122 : vector<2000x128xf32>
    %add3A_124 = arith.addf %add3A_93, %add3A_123 : vector<2000x128xf32>
    %get3A_125 = arith.constant 1 : index
    %get3A_126 = arith.constant 0 : index
    %get3A_127 = arith.constant 0 : index
    %get3A_128 = vector.load %arg12[%get3A_125, %get3A_126, %get3A_127] : memref<2x128x128xf32, #tpu.memory_space<vmem>>, vector<1x128x128xf32>
    %get3A_129 = vector.shape_cast %get3A_128 : vector<1x128x128xf32> to vector<128x128xf32>
    %dot_general3A_130 = arith.constant dense<0.000000e+00> : vector<2000x128xf32>
    %dot_general3A_131 = tpu.matmul %add3A_124, %get3A_129, %dot_general3A_130 {dimension_numbers = #tpu.dot_dimension_numbers<[1], [0], [0], [1], [0, 0, 1, 1], [], []>, transpose_lhs_hint = false} : vector<2000x128xf32>, vector<128x128xf32>, vector<2000x128xf32> -> vector<2000x128xf32>
    %get3A_132 = arith.constant 0 : index
    %get3A_133 = arith.constant 0 : index
    %get3A_134 = vector.load %arg13[%get3A_132, %get3A_133] : memref<2x128xf32, #tpu.memory_space<vmem>>, vector<2x128xf32>
    %slice3A_135 = vector.extract_strided_slice %get3A_134 {offsets = [1, 0], sizes = [1, 128], strides = [1, 1]} : vector<2x128xf32> to vector<1x128xf32>
    %squeeze3A_136 = vector.shape_cast %slice3A_135 : vector<1x128xf32> to vector<128xf32>
    %reshape3A_137 = vector.shape_cast %squeeze3A_136 : vector<128xf32> to vector<1x128xf32>
    %add3A_138 = vector.broadcast %reshape3A_137 : vector<1x128xf32> to vector<2000x128xf32>
    %add3A_139 = arith.addf %dot_general3A_131, %add3A_138 : vector<2000x128xf32>
    %get3A_140 = arith.constant 1 : index
    %get3A_141 = arith.constant 0 : index
    %get3A_142 = arith.constant 0 : index
    %get3A_143 = vector.load %arg14[%get3A_140, %get3A_141, %get3A_142] : memref<2x128x128xf32, #tpu.memory_space<vmem>>, vector<1x128x128xf32>
    %get3A_144 = vector.shape_cast %get3A_143 : vector<1x128x128xf32> to vector<128x128xf32>
    %dot_general3A_145 = arith.constant dense<0.000000e+00> : vector<2000x128xf32>
    %dot_general3A_146 = tpu.matmul %add3A_139, %get3A_144, %dot_general3A_145 {dimension_numbers = #tpu.dot_dimension_numbers<[1], [0], [0], [1], [0, 0, 1, 1], [], []>, transpose_lhs_hint = false} : vector<2000x128xf32>, vector<128x128xf32>, vector<2000x128xf32> -> vector<2000x128xf32>
    %get3A_147 = arith.constant 0 : index
    %get3A_148 = arith.constant 0 : index
    %get3A_149 = vector.load %arg15[%get3A_147, %get3A_148] : memref<2x128xf32, #tpu.memory_space<vmem>>, vector<2x128xf32>
    %slice3A_150 = vector.extract_strided_slice %get3A_149 {offsets = [1, 0], sizes = [1, 128], strides = [1, 1]} : vector<2x128xf32> to vector<1x128xf32>
    %squeeze3A_151 = vector.shape_cast %slice3A_150 : vector<1x128xf32> to vector<128xf32>
    %reshape3A_152 = vector.shape_cast %squeeze3A_151 : vector<128xf32> to vector<1x128xf32>
    %add3A_153 = vector.broadcast %reshape3A_152 : vector<1x128xf32> to vector<2000x128xf32>
    %add3A_154 = arith.addf %dot_general3A_146, %add3A_153 : vector<2000x128xf32>
    %add3A_155 = arith.addf %add3A_124, %add3A_154 : vector<2000x128xf32>
    %swap3A = arith.constant 0 : index
    %swap3A_156 = arith.constant 0 : index
    %swap3A_157 = vector.load %arg16[%swap3A, %swap3A_156] : memref<2000x128xf32, #tpu.memory_space<vmem>>, vector<2000x128xf32>
    tpu.vector_store %arg16[%swap3A, %swap3A_156], %add3A_155 {strides = array<i32>} : memref<2000x128xf32, #tpu.memory_space<vmem>>, vector<2000x128xf32>,
    return
  }
  func.func @transform_0(%arg0: i32) -> (i32, i32) {
    %c0_i32 = arith.constant 0 : i32
    %c0_i32_0 = arith.constant 0 : i32
    return %arg0, %c0_i32 : i32, i32
  }
  func.func @transform_1(%arg0: i32) -> (i32, i32, i32) {
    %c0_i32 = arith.constant 0 : i32
    %c0_i32_0 = arith.constant 0 : i32
    %c0_i32_1 = arith.constant 0 : i32
    return %c0_i32, %arg0, %c0_i32_0 : i32, i32, i32
  }
  func.func @transform_2(%arg0: i32) -> (i32, i32) {
    %c0_i32 = arith.constant 0 : i32
    %c0_i32_0 = arith.constant 0 : i32
    %c0_i32_1 = arith.constant 0 : i32
    return %c0_i32, %c0_i32_0 : i32, i32
  }
  func.func @transform_3(%arg0: i32) -> (i32, i32) {
    %c0_i32 = arith.constant 0 : i32
    %c0_i32_0 = arith.constant 0 : i32
    %c0_i32_1 = arith.constant 0 : i32
    return %c0_i32, %c0_i32_0 : i32, i32
  }
  func.func @transform_4(%arg0: i32) -> (i32, i32, i32) {
    %c0_i32 = arith.constant 0 : i32
    %c0_i32_0 = arith.constant 0 : i32
    %c0_i32_1 = arith.constant 0 : i32
    %c0_i32_2 = arith.constant 0 : i32
    return %c0_i32, %c0_i32_0, %c0_i32_1 : i32, i32, i32
  }
  func.func @transform_5(%arg0: i32) -> (i32, i32) {
    %c0_i32 = arith.constant 0 : i32
    %c0_i32_0 = arith.constant 0 : i32
    %c0_i32_1 = arith.constant 0 : i32
    return %c0_i32, %c0_i32_0 : i32, i32
  }
  func.func @transform_6(%arg0: i32) -> (i32, i32, i32) {
    %c0_i32 = arith.constant 0 : i32
    %c0_i32_0 = arith.constant 0 : i32
    %c0_i32_1 = arith.constant 0 : i32
    %c0_i32_2 = arith.constant 0 : i32
    return %c0_i32, %c0_i32_0, %c0_i32_1 : i32, i32, i32
  }
  func.func @transform_7(%arg0: i32) -> (i32, i32) {
    %c0_i32 = arith.constant 0 : i32
    %c0_i32_0 = arith.constant 0 : i32
    %c0_i32_1 = arith.constant 0 : i32
    return %c0_i32, %c0_i32_0 : i32, i32
  }
  func.func @transform_8(%arg0: i32) -> (i32, i32) {
    %c0_i32 = arith.constant 0 : i32
    %c0_i32_0 = arith.constant 0 : i32
    %c0_i32_1 = arith.constant 0 : i32
    return %c0_i32, %c0_i32_0 : i32, i32
  }
  func.func @transform_9(%arg0: i32) -> (i32, i32) {
    %c0_i32 = arith.constant 0 : i32
    %c0_i32_0 = arith.constant 0 : i32
    %c0_i32_1 = arith.constant 0 : i32
    return %c0_i32, %c0_i32_0 : i32, i32
  }
  func.func @transform_10(%arg0: i32) -> (i32, i32) {
    %c0_i32 = arith.constant 0 : i32
    %c0_i32_0 = arith.constant 0 : i32
    %c0_i32_1 = arith.constant 0 : i32
    return %c0_i32, %c0_i32_0 : i32, i32
  }
  func.func @transform_11(%arg0: i32) -> (i32, i32, i32) {
    %c0_i32 = arith.constant 0 : i32
    %c0_i32_0 = arith.constant 0 : i32
    %c0_i32_1 = arith.constant 0 : i32
    %c0_i32_2 = arith.constant 0 : i32
    return %c0_i32, %c0_i32_0, %c0_i32_1 : i32, i32, i32
  }
  func.func @transform_12(%arg0: i32) -> (i32, i32) {
    %c0_i32 = arith.constant 0 : i32
    %c0_i32_0 = arith.constant 0 : i32
    %c0_i32_1 = arith.constant 0 : i32
    return %c0_i32, %c0_i32_0 : i32, i32
  }
  func.func @transform_13(%arg0: i32) -> (i32, i32, i32) {
    %c0_i32 = arith.constant 0 : i32
    %c0_i32_0 = arith.constant 0 : i32
    %c0_i32_1 = arith.constant 0 : i32
    %c0_i32_2 = arith.constant 0 : i32
    return %c0_i32, %c0_i32_0, %c0_i32_1 : i32, i32, i32
  }
  func.func @transform_14(%arg0: i32) -> (i32, i32) {
    %c0_i32 = arith.constant 0 : i32
    %c0_i32_0 = arith.constant 0 : i32
    %c0_i32_1 = arith.constant 0 : i32
    return %c0_i32, %c0_i32_0 : i32, i32
  }
  func.func @transform_15(%arg0: i32) -> (i32, i32) {
    %c0_i32 = arith.constant 0 : i32
    %c0_i32_0 = arith.constant 0 : i32
    return %arg0, %c0_i32 : i32, i32
  }
}

module attributes {stable_mosaic.version = 14 : i64} {
  func.func @body(%arg0: i32, %arg1: memref<2000x128xf32, #tpu.memory_space<vmem>>, %arg2: memref<128x128xf32, #tpu.memory_space<vmem>>, %arg3: memref<1x128xf32, #tpu.memory_space<vmem>>, %arg4: memref<2000x128xf32, #tpu.memory_space<vmem>>) attributes {dimension_semantics = [#tpu.dimension_semantics<arbitrary>], iteration_bounds = array<i64: 5>, scalar_prefetch = 0 : i64, scratch_operands = 0 : i64, tpu.core_type = #tpu.core_type<tc>, window_params = [{transform_indices = @transform_0, window_bounds = array<i64: 2000, 128>}, {pipeline_mode = #tpu.pipeline_mode<synchronous>, transform_indices = @transform_1, window_bounds = array<i64: 128, 128>}, {pipeline_mode = #tpu.pipeline_mode<synchronous>, transform_indices = @transform_2, window_bounds = array<i64: 1, 128>}, {transform_indices = @transform_3, window_bounds = array<i64: 2000, 128>}]} {
    %get3A = arith.constant 0 : index
    %get3A_0 = arith.constant 0 : index
    %get3A_1 = vector.load %arg1[%get3A, %get3A_0] : memref<2000x128xf32, #tpu.memory_space<vmem>>, vector<2000x128xf32>
    %get3A_2 = arith.constant 0 : index
    %get3A_3 = arith.constant 0 : index
    %get3A_4 = vector.load %arg2[%get3A_2, %get3A_3] : memref<128x128xf32, #tpu.memory_space<vmem>>, vector<128x128xf32>
    %dot_general3A = arith.constant dense<0.000000e+00> : vector<2000x128xf32>
    %dot_general3A_5 = tpu.matmul %get3A_1, %get3A_4, %dot_general3A {dimension_numbers = #tpu.dot_dimension_numbers<[1], [0], [0], [1], [0, 0, 1, 1], [], []>, transpose_lhs_hint = false} : vector<2000x128xf32>, vector<128x128xf32>, vector<2000x128xf32> -> vector<2000x128xf32>
    %get3A_6 = arith.constant 0 : index
    %get3A_7 = arith.constant 0 : index
    %get3A_8 = vector.load %arg3[%get3A_6, %get3A_7] : memref<1x128xf32, #tpu.memory_space<vmem>>, vector<1x128xf32>
    %add3A = vector.broadcast %get3A_8 : vector<1x128xf32> to vector<2000x128xf32>
    %add3A_9 = arith.addf %dot_general3A_5, %add3A : vector<2000x128xf32>
    %swap3A = arith.constant 0 : index
    %swap3A_10 = arith.constant 0 : index
    %swap3A_11 = vector.load %arg4[%swap3A, %swap3A_10] : memref<2000x128xf32, #tpu.memory_space<vmem>>, vector<2000x128xf32>
    tpu.vector_store %arg4[%swap3A, %swap3A_10], %add3A_9 {strides = array<i32>} : memref<2000x128xf32, #tpu.memory_space<vmem>>, vector<2000x128xf32>,
    return
  }
  func.func @transform_0(%arg0: i32) -> (i32, i32) {
    %c0_i32 = arith.constant 0 : i32
    %c0_i32_0 = arith.constant 0 : i32
    return %arg0, %c0_i32 : i32, i32
  }
  func.func @transform_1(%arg0: i32) -> (i32, i32) {
    %c0_i32 = arith.constant 0 : i32
    %c0_i32_0 = arith.constant 0 : i32
    %c0_i32_1 = arith.constant 0 : i32
    return %c0_i32, %c0_i32_0 : i32, i32
  }
  func.func @transform_2(%arg0: i32) -> (i32, i32) {
    %c0_i32 = arith.constant 0 : i32
    %c0_i32_0 = arith.constant 0 : i32
    %c0_i32_1 = arith.constant 0 : i32
    return %c0_i32, %c0_i32_0 : i32, i32
  }
  func.func @transform_3(%arg0: i32) -> (i32, i32) {
    %c0_i32 = arith.constant 0 : i32
    %c0_i32_0 = arith.constant 0 : i32
    return %arg0, %c0_i32 : i32, i32
  }
}

</mosaic_0001>

<sc_bundles>
// kernel: kernel.6.cloned.1.call-start
scs
__scs_entry_jumppad:
0x0: {  	(pc) =	sbr.rel $0x88, $3  }
0x1: {  	(tag) =	ssettag $0x0;
	lr =	simm.s32 $0x1  }
0x2: {  	[smem:$0x3F8D] =	sst lr;
	_ =	strace $0xD0000000  }
0x3: {  	_ = 	snop  }
0x4: {  	_ = 	snop  }
0x5: {  	_ = 	snop  }
0x6: {  	_ = 	snop  }
0x7: {  	_ = 	snop  }
__scs_overlays_trampoline_lowered:
0x8: {  	[smem:$0x3F9C] =	sst s0  }
0x9: {  	[smem:$0x3F9D] =	sst s1  }
0xa: {  	[smem:$0x3F9E] =	sst s2  }
0xb: {  	[smem:$0x3F9F] =	sst s3  }
0xc: {  	[smem:$0x3FA0] =	sst s4  }
0xd: {  	[smem:$0x3FA1] =	sst s5  }
0xe: {  	[smem:$0x3FA2] =	sst s6  }
0xf: {  	[smem:$0x3FA3] =	sst s7  }
0x10: {  	[smem:$0x3FA4] =	sst s8  }
0x11: {  	[smem:$0x3FA5] =	sst s9;
	s0 =	simm.s32 @!p0 $0x0  }
0x12: {  	s1 =	sld [smem:$0x3F8B];
	s0 =	simm.s32 @p0 $0x1  }
0x13: {  	[smem:$0x3FA6] =	sst s0;
	s0 =	simm.s32 @!p1 $0x0  }
0x14: {  	s2 =	sld [smem:$0x3F8A];
	s0 =	simm.s32 @p1 $0x1  }
0x15: {  	[smem:$0x3FA7] =	sst s0;
	s0 =	simm.s32 @!p2 $0x0  }
0x16: {  	s3 =	sld [smem:$0x3FDB];
	s0 =	simm.s32 @p2 $0x1  }
0x17: {  	s4 =	simm.s32 $0x1BF5;
	[smem:$0x3FA9] =	sst s0  }
0x18: {  	s0 =	sld [smem:$0x3F8C];
	_ =	swait.ge [sflag:s4], $0x0  }
0x19: {  	s7 =	sld [smem:$0x3F8D]  }
0x1a: {  	s8 =	sadd.s32 $0xFFFFE003, lr  }
0x1b: {  	s9 =	sadd.s32 $0xFFFFFEF7, lr;
	s5 =	simm.s32 $0xFFFFFFFF;
	p2 =	slt.u32 s8, $0xFFFFF086  }
0x1c: {  	p1 =	slt.u32 s9, $0xF7A;
	s5 =	simm.s32 @!p2 $0x0  }
0x1d: {  	s5 =	simm.s32 @p1 $0x1;
	p0 =	seq.s32 s7, s2  }
0x1e: {  	s7 =	smul.u32 @!p0 $0xF7A, s2;
	p2 =	seq.s32 @!p0 s5, $0x0  }
0x1f: {  	s9 =	smul.u32 $0xF7A, s1;
	s8 =	simm.s32 @!p0 $0x1BF5;
	p2 =	por !p2, p0  }
0x20: {  	[sflag:s8] =	ssyncset.s32 @!p0 $0xFFFFF086;
	s6 =	sadd.s32 @!p0 s3, s7;
	s7 =	simm.s32 @!p0 $0x108  }
0x21: {  	s3 =	sadd.s32 s3, s9;
	s6 =	sadd.s32 @!p0 $0x88, s6;
	s7 =	simm.s32 @p2 $0x1082  }
0x22: {  	[simem:s7], [sflag:s8] =	dma.local @!p0 [hbm:s6], $0xF7A  }
0x23: {  	s9 =	sor.u32 $0xD0000000, s2;
	s6 =	simm.s32 $0x108;
	_ =	swait.ge @!p0 [sflag:s8], $0x0  }
0x24: {  	s3 =	sadd.s32 $0x88, s3;
	s6 =	simm.s32 @!p1 $0x1082;
	[sflag:s4] =	ssyncset.s32 $0xFFFFF086  }
0x25: {  	[simem:s6], [sflag:s4] =	dma.local [hbm:s3], $0xF7A  }
0x26: {  	[smem:$0x3F8D] =	sst s1;
	(tag) =	ssettag s2;
	_ =	strace s9  }
0x27: {  	s1 =	sld [smem:$0x3F9D]  }
0x28: {  	s2 =	sld [smem:$0x3F9E]  }
0x29: {  	s4 =	sld [smem:$0x3FA0]  }
0x2a: {  	p0 =	seq.s32 s5, $0x0;
	s5 =	sld [smem:$0x3FA1]  }
0x2b: {  	s6 =	sld [smem:$0x3FA2]  }
0x2c: {  	s7 =	sld [smem:$0x3FA3]  }
0x2d: {  	s3 =	simm.s32 $0x108;
	s8 =	sld [smem:$0x3FA4]  }
0x2e: {  	s3 =	simm.s32 @!p0 $0x1082;
	s9 =	sld [smem:$0x3FA5]  }
0x2f: {  	lr =	sadd.s32 s0, s3;
	s0 =	sld [smem:$0x3F9C]  }
0x30: {  	s3 =	sld [smem:$0x3F9F]  }
0x31: {  	[smem:$0x3FA8] =	sst s10  }
0x32: {  	s10 =	sld [smem:$0x3FA6];
	_ =	sdelay $0x3  }
0x33: {  	p0 =	seq.s32 s10, $0x1;
	s10 =	sld [smem:$0x3FA8];
	_ =	sdelay $0x3  }
0x34: {  	[smem:$0x3FA8] =	sst s10  }
0x35: {  	s10 =	sld [smem:$0x3FA7];
	_ =	sdelay $0x3  }
0x36: {  	p1 =	seq.s32 s10, $0x1;
	s10 =	sld [smem:$0x3FA8];
	_ =	sdelay $0x3  }
0x37: {  	[smem:$0x3FA8] =	sst s10  }
0x38: {  	s10 =	sld [smem:$0x3FA9]  }
0x39: {  	_ = 	snop;
	(pc) =	sbr.ind lr, $3  }
0x3a: {  	_ = 	snop  }
0x3b: {  	_ = 	snop  }
0x3c: {  	p2 =	seq.s32 s10, $0x1;
	s10 =	sld [smem:$0x3FA8]  }
0x3d: {  	_ =	shalt  }
0x3e: {  	_ =	shalt  }
0x3f: {  	_ =	shalt  }
0x40: {  	_ =	shalt  }
0x41: {  	_ =	shalt  }
0x42: {  	_ =	shalt  }
0x43: {  	_ =	shalt  }
0x44: {  	_ =	shalt  }
0x45: {  	_ =	shalt  }
0x46: {  	_ =	shalt  }
0x47: {  	_ =	shalt  }
0x48: {  	_ =	shalt  }
0x49: {  	_ =	shalt  }
0x4a: {  	_ =	shalt  }
0x4b: {  	_ =	shalt  }
0x4c: {  	_ =	shalt  }
0x4d: {  	_ =	shalt  }
0x4e: {  	_ =	shalt  }
0x4f: {  	_ =	shalt  }
0x50: {  	_ =	shalt  }
0x51: {  	_ =	shalt  }
0x52: {  	_ =	shalt  }
0x53: {  	_ =	shalt  }
0x54: {  	_ =	shalt  }
0x55: {  	_ =	shalt  }
0x56: {  	_ =	shalt  }
0x57: {  	_ =	shalt  }
0x58: {  	_ =	shalt  }
0x59: {  	_ =	shalt  }
0x5a: {  	_ =	shalt  }
0x5b: {  	_ =	shalt  }
0x5c: {  	_ =	shalt  }
0x5d: {  	_ =	shalt  }
0x5e: {  	_ =	shalt  }
0x5f: {  	_ =	shalt  }
0x60: {  	_ =	shalt  }
0x61: {  	_ =	shalt  }
0x62: {  	_ =	shalt  }
0x63: {  	_ =	shalt  }
0x64: {  	_ =	shalt  }
0x65: {  	_ =	shalt  }
0x66: {  	_ =	shalt  }
0x67: {  	_ =	shalt  }
0x68: {  	_ =	shalt  }
0x69: {  	_ =	shalt  }
0x6a: {  	_ =	shalt  }
0x6b: {  	_ =	shalt  }
0x6c: {  	_ =	shalt  }
0x6d: {  	_ =	shalt  }
0x6e: {  	_ =	shalt  }
0x6f: {  	_ =	shalt  }
0x70: {  	_ =	shalt  }
0x71: {  	_ =	shalt  }
0x72: {  	_ =	shalt  }
0x73: {  	_ =	shalt  }
0x74: {  	_ =	shalt  }
0x75: {  	_ =	shalt  }
0x76: {  	_ =	shalt  }
0x77: {  	_ =	shalt  }
0x78: {  	_ =	shalt  }
0x79: {  	_ =	shalt  }
0x7a: {  	_ =	shalt  }
0x7b: {  	_ =	shalt  }
0x7c: {  	_ =	shalt  }
0x7d: {  	_ =	shalt  }
0x7e: {  	_ =	shalt  }
0x7f: {  	_ =	shalt  }
0x80: {  	_ =	shalt  }
0x81: {  	_ =	shalt  }
0x82: {  	_ =	shalt  }
0x83: {  	_ =	shalt  }
0x84: {  	_ =	shalt  }
0x85: {  	_ =	shalt  }
0x86: {  	_ =	shalt  }
0x87: {  	_ =	shalt  }
.Lfunc_end0:
.L_simem_size_0:
called_computation_lowered:
.L_overlay_start_0:
0x88: {  	s2 =	sld [smem:$0x3FD9]  }
0x89: {  	s3 =	sld [smem:$0x3FFE];
	_ =	sdelay $0x1  }
0x8a: {  	s1 =	srdreg.scid  }
0x8b: {  	s0 =	sand.u32 $0x1, s1  }
0x8c: {  	s17 =	sshll.u32 s0, $0xA;
	s2 =	sadd.s32 s3, s2  }
0x8d: {  	s2 =	sadd.s32 s2, s17  }
0x8e: {  	[smem:$0x3FB4] =	sst s2  }
0x8f: {  	_ = 	snop  }
0x90: {  	s2 =	sld [smem:$0x3FC7]  }
0x91: {  	s18 =	sld [smem:$0x3FC6]  }
0x92: {  	s4 =	sld [smem:$0x3FD0];
	(tm) =	ssettm $0x1  }
0x93: {  	s5 =	sld [smem:$0x3FFB];
	_ =	sdelay $0x3  }
0x94: {  	_ =	strace s5  }
0x95: {  	s5 =	sld [smem:$0x3FFC];
	_ =	sdelay $0x3  }
0x96: {  	_ =	strace s5  }
0x97: {  	s5 =	sld [smem:$0x3FFD];
	_ =	sdelay $0x3  }
0x98: {  	_ =	strace s5  }
0x99: {  	_ =	strace $0x8FFFFFFF  }
0x9a: {  	s19 =	sld [smem:$0x3FDB];
	_ =	sdelay $0x1  }
0x9b: {  	s6 =	simm.s32 $_scs_section_size  }
0x9c: {  	s7 =	simm.s32 $_size__tile_overlayer_lowered;
	s8 =	simm.s32 $_tile_overlayer_lowered  }
0x9d: {  	s22 =	simm.s32 $0x1BFF;
	s21 =	sshll.u32 s8, $0x1;
	s5 =	sadd.s32 s6, s19  }
0x9e: {  	s9 =	simm.s32 $0x0;
	s20 =	sshll.u32 s7, $0x1;
	s7 =	sadd.s32 s21, s5  }
0x9f: {  	[timem:s9], [sflag:s22] =	dma.local [hbm:s7], s20  }
0xa0: {  	_ =	swait.ge [sflag:s22], s20  }
0xa1: {  	s6 =	ssub.s32 $0x0, s20;
	[sflag:s22] =	ssyncset.done $0x0  }
0xa2: {  	[sflag:s22] =	ssyncadd.s32 s6;
	_ =	sdelay $0x1  }
0xa3: {  	s23 =	simm.s32 $0x1B8B  }
0xa4: {  	_ =	swait.ge [sflag:s23], $0x1  }
0xa5: {  	[sflag:s23] =	ssyncset.done $0x0  }
0xa6: {  	s25 =	simm.s32 $0x1B8E;
	s24 =	sld [smem:$0x3FFE];
	[sflag:s23] =	ssyncadd.s32 $0xFFFFFFFF  }
0xa7: {  	s26 =	simm.s32 $execute0_lowered;
	[smem:$0x3FD2] =	sst s25  }
0xa8: {  	s7 =	sshll.u32 s26, $0x1;
	_ =	strace $0x80000046;
	[dreg:$0x1] =	wrdreg $0xFFFFFFFF  }
0xa9: {  	s28 =	simm.s32 $_size_execute0_lowered;
	s5 =	sadd.s32 s5, s7;
	[dreg:$0x0] =	wrdreg $0x0  }
0xaa: {  	s7 =	sshll.u32 s28, $0x1;
	[dreg:$0x2] =	wrdreg s5  }
0xab: {  	[dreg:$0x3] =	wrdreg s7  }
0xac: {  	[dreg:$0x4] =	wrdreg $0xC0  }
0xad: {  	_ =	task [dreg:s9], $0x5FFFF  }
0xae: {  	[dreg:$0x1] =	wrdreg $0xFFFFFFFF  }
0xaf: {  	[dreg:$0x0] =	wrdreg $0x60  }
0xb0: {  	[dreg:$0x2] =	wrdreg s24  }
0xb1: {  	[dreg:$0x3] =	wrdreg s4  }
0xb2: {  	[dreg:$0x4] =	wrdreg s2  }
0xb3: {  	[dreg:$0x5] =	wrdreg s18  }
0xb4: {  	[dreg:$0x6] =	wrdreg $0x51000  }
0xb5: {  	[dreg:$0x7] =	wrdreg $0x9  }
0xb6: {  	_ =	task.clear_ibuf [dreg:s9], $0x8FFFF;
	_ =	strace $0x90000046  }
0xb7: {  	s29 =	simm.s32 $0x9;
	_ =	strace $0x80000048  }
0xb8: {  	_ =	swait.ge [sflag:s29], $0x1  }
0xb9: {  	[sflag:s29] =	ssyncadd.s32 $0xFFFFFFFF  }
0xba: {  	_ =	strace $0x90000048  }
0xbb: {  	_ =	sfence  }
0xbc: {  	s30 =	sld [smem:$0x0];
	_ =	sdelay $0x2  }
0xbd: {  	s31 =	sshll.u32 s1, $0xD;
	s1 =	sshrl.u32 s1, $0x2  }
0xbe: {  	s3 =	sand.u32 $0x4000, s31;
	s1 =	sadd.s32 s1, s30  }
0xbf: {  	s0 =	sor.u32 s3, s0;
	s1 =	sshll.u32 s1, $0x11  }
0xc0: {  	s0 =	sor.u32 s1, s0  }
0xc1: {  	s0 =	sadd.s32 $0x8F2B, s0  }
0xc2: {  	[sflag:s0] =	ssyncadd.remote.s32 $0x1  }
0xc3: {  	_ =	sfence.sel $0xFFFF  }
0xc4: {  	[dreg:$0x0] =	wrdreg $0xFFFFFFFF;
	(pc) =	sbr.abs _section_cstart, $3  }
0xc5: {  	[dreg:$0x1] =	wrdreg $0xFFFFFFFF  }
0xc6: {  	_ =	task.clear_ibuf [dreg:s9], $0x2FFFF;
	_ =	strace $0x9FFFFFFF  }
0xc7: {  	(tm) =	ssettm $0x7FFFFFFF  }
tec
execute0_lowered:
.L_overlay_start_1:
0x0: {  	(tag) =	ssettag $0x1  }
0x1: {  	s2 =	rddreg [dreg:$0x0]  }
0x2: {  	s0 =	rddreg [dreg:$0x1]  }
0x3: {  	s1 =	rddreg [dreg:$0x2]  }
0x4: {  	s4 =	rddreg [dreg:$0x3];
	s3 =	srdreg.scid  }
0x5: {  	s5 =	rddreg [dreg:$0x4];
	s26 =	stileid.u32  }
0x6: {  	s6 =	simm.s32 $0x0;
	s3 =	sand.u32 $0x1, s3;
	s9 =	smul.u32 $0x2800, s26  }
0x7: {  	s28 =	simm.s32 $0x2;
	s8 =	sor.u32 $0x10, s26;
	s7 =	smul.u32 $0x138800, s3  }
0x8: {  	s29 =	simm.s32 $0x80;
	s10 =	sor.u32 $0x20, s26;
	s11 =	smul.u32 $0x2800, s8  }
0x9: {  	s30 =	simm.s32 $0x50;
	s16 =	sor.u32 $0x30, s26;
	s12 =	smul.u32 $0x2800, s10  }
0xa: {  	s31 =	simm.s32 $0x2900;
	s17 =	sor.u32 $0x40, s26;
	s13 =	smul.u32 $0x2800, s16  }
0xb: {  	[smem:$0x7FF] =	sst s6;
	s18 =	sor.u32 $0x50, s26;
	s15 =	smul.u32 $0x2800, s17  }
0xc: {  	s20 =	sor.u32 $0x60, s26;
	p0 =	sgt.u32 s26, $0xC;
	s21 =	smul.u32 $0x2800, s18  }
0xd: {  	_ =	strace $0x80000047;
	s14 =	ssub.s32 $0x2, s3;
	s24 =	smul.u32 $0x2800, s20  }
0xe: {  	s8 =	smul.u32 $0xA000, s8;
	s3 =	sshll.u32 s3, $0x4;
	s19 =	sshrl.u32 s14, $0x1  }
0xf: {  	s3 =	sor.u32 s26, s3;
	s25 =	ssub.s32 s14, s19;
	s19 =	sor.u32 $0x70, s26  }
0x10: {  	s9 =	sadd.s32 s9, s7;
	s11 =	sadd.s32 s7, s11;
	s12 =	sadd.s32 s7, s12  }
0x11: {  	s13 =	sadd.s32 s7, s13;
	s15 =	sadd.s32 s7, s15;
	s21 =	sadd.s32 s7, s21  }
0x12: {  	s14 =	sadd.s32 s7, s24;
	s8 =	sshrl.u32 s8, $0x2;
	s22 =	smul.u32 $0x2800, s19  }
0x13: {  	s9 =	sshrl.u32 s9, $0x3;
	s23 =	sshrl.u32 s11, $0x3;
	s24 =	sshrl.u32 s12, $0x3  }
0x14: {  	s13 =	sshrl.u32 s13, $0x3;
	s15 =	sshrl.u32 s15, $0x3;
	s21 =	sshrl.u32 s21, $0x3  }
0x15: {  	s11 =	smul.u32 $0xA000, s10;
	s7 =	sadd.s32 s7, s22;
	s22 =	sadd.s32 $0x2C00, s2  }
0x16: {  	s25 =	smax.u32 s25, $0x1;
	s9 =	sadd.s32 s22, s9;
	s12 =	sadd.s32 s22, s24  }
0x17: {  	s7 =	sshrl.u32 s7, $0x3;
	s24 =	smul.u32 $0xA000, s26;
	[dreg:$0x6] =	wrdreg s9  }
0x18: {  	s26 =	simm.s32 $0x100;
	s9 =	sadd.s32 s22, s23;
	[dreg:$0x8] =	wrdreg s12  }
0x19: {  	s12 =	sadd.s32 s22, s21;
	s23 =	sshrl.u32 s14, $0x3;
	[dreg:$0x7] =	wrdreg s9  }
0x1a: {  	s9 =	sadd.s32 s22, s13;
	s13 =	sadd.s32 s22, s23;
	s23 =	smul.u32 $0xA000, s17  }
0x1b: {  	s14 =	sadd.s32 s22, s7;
	s21 =	sshrl.u32 s24, $0x2;
	s24 =	smul.u32 $0xA000, s18  }
0x1c: {  	s17 =	sadd.s32 s8, s5;
	[dreg:$0x9] =	wrdreg s9;
	s9 =	sadd.s32 s22, s15  }
0x1d: {  	s15 =	sadd.s32 $0x4E4C00, s2;
	s22 =	smul.u32 $0xA000, s16;
	s16 =	sadd.s32 s21, s5  }
0x1e: {  	s2 =	sshrl.u32 s11, $0x2;
	s11 =	smul.u32 $0xA000, s20;
	[dreg:$0xa] =	wrdreg s9  }
0x1f: {  	s18 =	sadd.s32 s2, s5;
	s7 =	sshrl.u32 s23, $0x2;
	s23 =	sshrl.u32 s24, $0x2  }
0x20: {  	s21 =	sshrl.u32 s22, $0x2;
	s22 =	smul.u32 $0xA000, s19;
	s20 =	sadd.s32 s7, s5  }
0x21: {  	s2 =	sshrl.u32 s11, $0x2;
	s19 =	sadd.s32 s21, s5;
	s21 =	sadd.s32 s23, s5  }
0x22: {  	s24 =	sshrl.u32 s22, $0x2;
	s22 =	sadd.s32 s2, s5;
	s2 =	simm.s32 $0x1  }
0x23: {  	v0 =	vimm.f32 $0.0e+00;
	s23 =	sadd.s32 s24, s5;
	s24 =	smul.u32 $0x2710, s3;
	s3 =	simm.s32 $0x0  }
.LBB2_1:
0x24: {  	s7 =	simm.s32 $0x0;
	s8 =	simm.s32 $0x200  }
.LBB2_2:
0x25: {  	p1 =	sne.s32 s8, $0x9E00;
	[tilespmem:s7+$0x170] =	vst v0  }
0x26: {  	[tilespmem:s7+$0x100] =	vst v0  }
0x27: {  	[tilespmem:s7+$0x110] =	vst v0  }
.Ltmp0:
0x28: {  	[tilespmem:s7+$0x120] =	vst v0;
	(pc) =	sbr.rel @p1 .LBB2_2-.Ltmp0, $4  }
0x29: {  	[tilespmem:s7+$0x130] =	vst v0  }
0x2a: {  	[tilespmem:s7+$0x140] =	vst v0  }
0x2b: {  	[tilespmem:s7+$0x150] =	vst v0  }
0x2c: {  	[tilespmem:s7+$0x160] =	vst v0;
	s7 =	sshra.s32 s8, $0x2;
	s8 =	sadd.s32 $0x200, s8  }
0x2d: {  	[tilespmem:s7+$0x170] =	vst v0  }
0x2e: {  	[tilespmem:s7+$0x100] =	vst v0  }
0x2f: {  	[tilespmem:s7+$0x110] =	vst v0  }
0x30: {  	[tilespmem:s7+$0x120] =	vst v0  }
0x31: {  	[tilespmem:s7+$0x130] =	vst v0  }
0x32: {  	[tilespmem:s7+$0x140] =	vst v0  }
0x33: {  	[tilespmem:s7+$0x150] =	vst v0  }
0x34: {  	[tilespmem:s7+$0x160] =	vst v0  }
0x35: {  	[spmem:s16] =	stream.linear.scatter [tilespmem:s26], [sflag:$0x2], $0x2800, $0x38;
	[tilespmem:$0x18980] =	vst v63  }
0x36: {  	_ =	swait.ge [sflag:s28], $0x2800  }
0x37: {  	[sflag:s28] =	ssyncset.done $0x0  }
0x38: {  	[sflag:s28] =	ssyncadd.s32 $0xFFFFD800  }
0x39: {  	[spmem:s17] =	stream.linear.scatter [tilespmem:s26], [sflag:$0x2], $0x2800, $0x38;
	[tilespmem:$0x18980] =	vst v63  }
0x3a: {  	_ =	swait.ge [sflag:s28], $0x2800  }
0x3b: {  	[sflag:s28] =	ssyncset.done $0x0  }
0x3c: {  	[sflag:s28] =	ssyncadd.s32 $0xFFFFD800  }
0x3d: {  	[spmem:s18] =	stream.linear.scatter [tilespmem:s26], [sflag:$0x2], $0x2800, $0x38;
	[tilespmem:$0x18980] =	vst v63  }
0x3e: {  	_ =	swait.ge [sflag:s28], $0x2800  }
0x3f: {  	[sflag:s28] =	ssyncset.done $0x0  }
0x40: {  	[sflag:s28] =	ssyncadd.s32 $0xFFFFD800  }
0x41: {  	[spmem:s19] =	stream.linear.scatter [tilespmem:s26], [sflag:$0x2], $0x2800, $0x38;
	[tilespmem:$0x18980] =	vst v63  }
0x42: {  	_ =	swait.ge [sflag:s28], $0x2800  }
0x43: {  	[sflag:s28] =	ssyncset.done $0x0  }
0x44: {  	[sflag:s28] =	ssyncadd.s32 $0xFFFFD800  }
0x45: {  	[spmem:s20] =	stream.linear.scatter [tilespmem:s26], [sflag:$0x2], $0x2800, $0x38;
	[tilespmem:$0x18980] =	vst v63  }
0x46: {  	_ =	swait.ge [sflag:s28], $0x2800  }
0x47: {  	[sflag:s28] =	ssyncset.done $0x0  }
0x48: {  	[sflag:s28] =	ssyncadd.s32 $0xFFFFD800  }
0x49: {  	[spmem:s21] =	stream.linear.scatter [tilespmem:s26], [sflag:$0x2], $0x2800, $0x38;
	[tilespmem:$0x18980] =	vst v63  }
0x4a: {  	_ =	swait.ge [sflag:s28], $0x2800  }
0x4b: {  	[sflag:s28] =	ssyncset.done $0x0  }
0x4c: {  	[sflag:s28] =	ssyncadd.s32 $0xFFFFD800  }
0x4d: {  	[spmem:s22] =	stream.linear.scatter [tilespmem:s26], [sflag:$0x2], $0x2800, $0x38;
	[tilespmem:$0x18980] =	vst v63  }
0x4e: {  	_ =	swait.ge [sflag:s28], $0x2800  }
0x4f: {  	[sflag:s28] =	ssyncset.done $0x0  }
0x50: {  	s7 =	simm.s32 @!p0 $0x100;
	[sflag:s28] =	ssyncadd.s32 $0xFFFFD800  }
0x51: {  	[spmem:s23] =	stream.linear.scatter @!p0 [tilespmem:s7], [sflag:$0x2], $0x2800, $0x38;
	[tilespmem:$0x18980] =	vst v63  }
0x52: {  	s7 =	simm.s32 @!p0 $0x2  }
0x53: {  	_ =	swait.ge @!p0 [sflag:s7], $0x2800  }
0x54: {  	[sflag:s7] =	ssyncset.done @!p0 $0x0  }
0x55: {  	[sflag:s7] =	ssyncadd.s32 @!p0 $0xFFFFD800  }
0x56: {  	s8 =	simm.s32 $0x0;
	s7 =	simm.s32 $0x0;
	[bflag:$0x0] =	sbarrier.arrive $0xFFFF  }
.LBB2_4:
0x57: {  	s9 =	smul.u32 $0x50, s8;
	_ =	sdelay $0x1  }
0x58: {  	s9 =	sadd.s32 s24, s9  }
0x59: {  	s10 =	sshrl.u32 s9, $0x3  }
0x5a: {  	s11 =	sadd.s32 s4, s10  }
0x5b: {  	[tilespmem:s7], [sflag:$0x2] =	stream.linear.gather [hbm4b:s11+s7], $0x50, $0x38;
	[tilespmem:$0x18980] =	vst v63  }
0x5c: {  	_ =	swait.ge [sflag:s28], $0x50  }
0x5d: {  	[sflag:s28] =	ssyncset.done $0x0  }
0x5e: {  	s10 =	sadd.s32 s1, s10;
	[sflag:s28] =	ssyncadd.s32 $0xFFFFFFB0  }
0x5f: {  	[tilespmem:s29], [sflag:$0x2] =	stream.linear.gather [hbm4b:s10+s7], $0x50, $0x38;
	[tilespmem:$0x18980] =	vst v63  }
0x60: {  	_ =	swait.ge [sflag:s28], $0x50  }
0x61: {  	[sflag:s28] =	ssyncset.done $0x0  }
0x62: {  	s9 =	sshll.u32 s9, $0x4;
	[sflag:s28] =	ssyncadd.s32 $0xFFFFFFB0  }
0x63: {  	[tilespmem:s31], [sflag:$0x1] =	stream.indirect.gather [hbm4b:s0+s30], $0x80, s7, s30, $0xb8;
	[tilespmem:$0x18980] =	vst v63  }
0x64: {  	s9 =	sadd.s32 s15, s9  }
0x65: {  	[tilespmem:s26], [sflag:$0x2] =	stream.linear.gather [hbm4b:s9+s7], $0x2800, $0x38;
	[tilespmem:$0x18980] =	vst v63  }
0x66: {  	_ =	swait.ge [sflag:s28], $0x2800  }
0x67: {  	[sflag:s28] =	ssyncset.done $0x0  }
0x68: {  	[sflag:s28] =	ssyncadd.s32 $0xFFFFD800  }
0x69: {  	_ =	swait.ge [sflag:s2], $0x2800  }
0x6a: {  	[sflag:s2] =	ssyncset.done $0x0  }
0x6b: {  	s9 =	simm.s32 $0x0;
	[sflag:s2] =	ssyncadd.s32 $0xFFFFD800  }
0x6c: {  	v8 =	vld [tilespmem:s9+$0x2900]  }
0x6d: {  	v12 =	vld [tilespmem:s9+$0x2910]  }
0x6e: {  	v6 =	vld [tilespmem:s9+$0x2920]  }
0x6f: {  	v5 =	vld [tilespmem:s9+$0x2930]  }
0x70: {  	v4 =	vld [tilespmem:s9+$0x2940]  }
0x71: {  	v3 =	vld [tilespmem:s9+$0x2950]  }
0x72: {  	v2 =	vld [tilespmem:s9+$0x2960]  }
0x73: {  	v1 =	vld [tilespmem:s9+$0x2970]  }
0x74: {  	v13 =	vld [tilespmem:s9+$0x100]  }
0x75: {  	v14 =	vld [tilespmem:s9+$0x110]  }
0x76: {  	v11 =	vld [tilespmem:s9+$0x120]  }
0x77: {  	v10 =	vld [tilespmem:s9+$0x130]  }
0x78: {  	v9 =	vld [tilespmem:s9+$0x140]  }
0x79: {  	v7 =	vld [tilespmem:s9+$0x150];
	v13 =	vmul.f32 v8, v13  }
0x7a: {  	s10 =	simm.s32 $0x200;
	v12 =	vmul.f32 v12, v14;
	v8 =	vld [tilespmem:s9+$0x160]  }
.LBB2_5:
0x7b: {  	s11 =	sshra.s32 s10, $0x2;
	p1 =	sne.s32 s10, $0x9E00;
	[tilespmem:s9+$0x100] =	vst v13;
	v6 =	vmul.f32 v6, v11;
	v11 =	vld [tilespmem:s9+$0x170]  }
0x7c: {  	v13 =	vld [tilespmem:s11+$0x2900];
	[tilespmem:s9+$0x110] =	vst v12;
	v5 =	vmul.f32 v5, v10  }
0x7d: {  	v12 =	vld [tilespmem:s11+$0x2910];
	[tilespmem:s9+$0x120] =	vst v6;
	v4 =	vmul.f32 v4, v9  }
0x7e: {  	v6 =	vld [tilespmem:s11+$0x2920];
	[tilespmem:s9+$0x130] =	vst v5;
	v3 =	vmul.f32 v3, v7  }
0x7f: {  	v5 =	vld [tilespmem:s11+$0x2930];
	[tilespmem:s9+$0x140] =	vst v4;
	v2 =	vmul.f32 v2, v8  }
0x80: {  	v4 =	vld [tilespmem:s11+$0x2940];
	[tilespmem:s9+$0x150] =	vst v3;
	v1 =	vmul.f32 v1, v11  }
0x81: {  	v3 =	vld [tilespmem:s11+$0x2950];
	[tilespmem:s9+$0x160] =	vst v2  }
0x82: {  	v2 =	vld [tilespmem:s11+$0x2960];
	[tilespmem:s9+$0x170] =	vst v1;
	s9 =	smov.u32 s11  }
0x83: {  	v1 =	vld [tilespmem:s9+$0x2970]  }
0x84: {  	v7 =	vld [tilespmem:s9+$0x100]  }
0x85: {  	v8 =	vld [tilespmem:s9+$0x110]  }
.Ltmp1:
0x86: {  	v11 =	vld [tilespmem:s9+$0x120];
	(pc) =	sbr.rel @p1 .LBB2_5-.Ltmp1, $4  }
0x87: {  	v10 =	vld [tilespmem:s9+$0x130]  }
0x88: {  	v9 =	vld [tilespmem:s9+$0x140]  }
0x89: {  	v13 =	vmul.f32 v13, v7;
	v7 =	vld [tilespmem:s9+$0x150]  }
0x8a: {  	s10 =	sadd.s32 $0x200, s10;
	v12 =	vmul.f32 v12, v8;
	v8 =	vld [tilespmem:s9+$0x160]  }
0x8b: {  	[tilespmem:s9+$0x100] =	vst v13;
	v6 =	vmul.f32 v6, v11;
	v63 =	vld [tilespmem:s9+$0x170]  }
0x8c: {  	[tilespmem:s9+$0x110] =	vst v12;
	v5 =	vmul.f32 v5, v10  }
0x8d: {  	[tilespmem:s9+$0x120] =	vst v6;
	v4 =	vmul.f32 v4, v9  }
0x8e: {  	[tilespmem:s9+$0x130] =	vst v5;
	v3 =	vmul.f32 v3, v7  }
0x8f: {  	[tilespmem:s9+$0x140] =	vst v4;
	v2 =	vmul.f32 v2, v8  }
0x90: {  	s8 =	sadd.s32 $0x1, s8;
	[tilespmem:s9+$0x150] =	vst v3;
	v1 =	vmul.f32 v1, v63  }
0x91: {  	p1 =	sne.s32 s8, $0x7D;
	[tilespmem:s9+$0x160] =	vst v2  }
.Ltmp2:
0x92: {  	[tilespmem:s9+$0x170] =	vst v1;
	(pc) =	sbr.rel @p1 .LBB2_4-.Ltmp2, $4  }
0x93: {  	[spmem:s5] =	stream.indirect.scatter.add.f32 [tilespmem:s26], [sflag:$0x2], $0x80, s29, s30, $0xb8;
	[tilespmem:$0x18980] =	vst v63  }
0x94: {  	_ =	swait.ge [sflag:s28], $0x2800  }
0x95: {  	[sflag:s28] =	ssyncset.done $0x0  }
0x96: {  	[sflag:s28] =	ssyncadd.s32 $0xFFFFD800  }
0x97: {  	[bflag:$0x0] =	sbarrier.arrive $0xFFFF  }
0x98: {  	[tilespmem:s26], [sflag:$0x2] =	stream.linear.gather [spmem:s16], $0x2800, $0x38;
	[tilespmem:$0x18980] =	vst v63  }
0x99: {  	_ =	swait.ge [sflag:s28], $0x2800  }
0x9a: {  	[sflag:s28] =	ssyncset.done $0x0  }
0x9b: {  	s7 =	rddreg [dreg:$0x6];
	[sflag:s28] =	ssyncadd.s32 $0xFFFFD800  }
0x9c: {  	[hbm4b:s7+s6] =	stream.linear.scatter [tilespmem:s26], [sflag:$0x2], $0x2800, $0x38;
	[tilespmem:$0x18980] =	vst v63  }
0x9d: {  	_ =	swait.ge [sflag:s28], $0x2800  }
0x9e: {  	[sflag:s28] =	ssyncset.done $0x0  }
0x9f: {  	[sflag:s28] =	ssyncadd.s32 $0xFFFFD800  }
0xa0: {  	[tilespmem:s26], [sflag:$0x2] =	stream.linear.gather [spmem:s17], $0x2800, $0x38;
	[tilespmem:$0x18980] =	vst v63  }
0xa1: {  	_ =	swait.ge [sflag:s28], $0x2800  }
0xa2: {  	[sflag:s28] =	ssyncset.done $0x0  }
0xa3: {  	s8 =	rddreg [dreg:$0x7];
	[sflag:s28] =	ssyncadd.s32 $0xFFFFD800  }
0xa4: {  	[hbm4b:s8+s6] =	stream.linear.scatter [tilespmem:s26], [sflag:$0x2], $0x2800, $0x38;
	[tilespmem:$0x18980] =	vst v63  }
0xa5: {  	_ =	swait.ge [sflag:s28], $0x2800  }
0xa6: {  	[sflag:s28] =	ssyncset.done $0x0  }
0xa7: {  	[sflag:s28] =	ssyncadd.s32 $0xFFFFD800  }
0xa8: {  	[tilespmem:s26], [sflag:$0x2] =	stream.linear.gather [spmem:s18], $0x2800, $0x38;
	[tilespmem:$0x18980] =	vst v63  }
0xa9: {  	_ =	swait.ge [sflag:s28], $0x2800  }
0xaa: {  	[sflag:s28] =	ssyncset.done $0x0  }
0xab: {  	s9 =	rddreg [dreg:$0x8];
	[sflag:s28] =	ssyncadd.s32 $0xFFFFD800  }
0xac: {  	[hbm4b:s9+s6] =	stream.linear.scatter [tilespmem:s26], [sflag:$0x2], $0x2800, $0x38;
	[tilespmem:$0x18980] =	vst v63  }
0xad: {  	_ =	swait.ge [sflag:s28], $0x2800  }
0xae: {  	[sflag:s28] =	ssyncset.done $0x0  }
0xaf: {  	[sflag:s28] =	ssyncadd.s32 $0xFFFFD800  }
0xb0: {  	[tilespmem:s26], [sflag:$0x2] =	stream.linear.gather [spmem:s19], $0x2800, $0x38;
	[tilespmem:$0x18980] =	vst v63  }
0xb1: {  	_ =	swait.ge [sflag:s28], $0x2800  }
0xb2: {  	[sflag:s28] =	ssyncset.done $0x0  }
0xb3: {  	s10 =	rddreg [dreg:$0x9];
	[sflag:s28] =	ssyncadd.s32 $0xFFFFD800  }
0xb4: {  	[hbm4b:s10+s6] =	stream.linear.scatter [tilespmem:s26], [sflag:$0x2], $0x2800, $0x38;
	[tilespmem:$0x18980] =	vst v63  }
0xb5: {  	_ =	swait.ge [sflag:s28], $0x2800  }
0xb6: {  	[sflag:s28] =	ssyncset.done $0x0  }
0xb7: {  	[sflag:s28] =	ssyncadd.s32 $0xFFFFD800  }
0xb8: {  	[tilespmem:s26], [sflag:$0x2] =	stream.linear.gather [spmem:s20], $0x2800, $0x38;
	[tilespmem:$0x18980] =	vst v63  }
0xb9: {  	_ =	swait.ge [sflag:s28], $0x2800  }
0xba: {  	[sflag:s28] =	ssyncset.done $0x0  }
0xbb: {  	s11 =	rddreg [dreg:$0xa];
	[sflag:s28] =	ssyncadd.s32 $0xFFFFD800  }
0xbc: {  	[hbm4b:s11+s6] =	stream.linear.scatter [tilespmem:s26], [sflag:$0x2], $0x2800, $0x38;
	[tilespmem:$0x18980] =	vst v63  }
0xbd: {  	_ =	swait.ge [sflag:s28], $0x2800  }
0xbe: {  	[sflag:s28] =	ssyncset.done $0x0  }
0xbf: {  	[sflag:s28] =	ssyncadd.s32 $0xFFFFD800  }
0xc0: {  	[tilespmem:s26], [sflag:$0x2] =	stream.linear.gather [spmem:s21], $0x2800, $0x38;
	[tilespmem:$0x18980] =	vst v63  }
0xc1: {  	_ =	swait.ge [sflag:s28], $0x2800  }
0xc2: {  	[sflag:s28] =	ssyncset.done $0x0  }
0xc3: {  	[sflag:s28] =	ssyncadd.s32 $0xFFFFD800  }
0xc4: {  	[hbm4b:s12+s6] =	stream.linear.scatter [tilespmem:s26], [sflag:$0x2], $0x2800, $0x38;
	[tilespmem:$0x18980] =	vst v63  }
0xc5: {  	_ =	swait.ge [sflag:s28], $0x2800  }
0xc6: {  	[sflag:s28] =	ssyncset.done $0x0  }
0xc7: {  	[sflag:s28] =	ssyncadd.s32 $0xFFFFD800  }
0xc8: {  	[tilespmem:s26], [sflag:$0x2] =	stream.linear.gather [spmem:s22], $0x2800, $0x38;
	[tilespmem:$0x18980] =	vst v63  }
0xc9: {  	_ =	swait.ge [sflag:s28], $0x2800  }
0xca: {  	[sflag:s28] =	ssyncset.done $0x0  }
0xcb: {  	[sflag:s28] =	ssyncadd.s32 $0xFFFFD800  }
0xcc: {  	[hbm4b:s13+s6] =	stream.linear.scatter [tilespmem:s26], [sflag:$0x2], $0x2800, $0x38;
	[tilespmem:$0x18980] =	vst v63  }
0xcd: {  	_ =	swait.ge [sflag:s28], $0x2800  }
0xce: {  	[sflag:s28] =	ssyncset.done $0x0  }
0xcf: {  	s7 =	simm.s32 @!p0 $0x100;
	s8 =	simm.s32 @!p0 $0x2;
	[sflag:s28] =	ssyncadd.s32 $0xFFFFD800  }
0xd0: {  	[tilespmem:s7], [sflag:$0x2] =	stream.linear.gather @!p0 [spmem:s23], $0x2800, $0x38;
	[tilespmem:$0x18980] =	vst v63  }
0xd1: {  	s3 =	sadd.s32 $0x1, s3;
	_ =	swait.ge @!p0 [sflag:s8], $0x2800  }
0xd2: {  	p1 =	sne.s32 s3, s25;
	[sflag:s8] =	ssyncset.done @!p0 $0x0  }
.Ltmp3:
0xd3: {  	s9 =	simm.s32 @!p0 $0x0;
	[sflag:s8] =	ssyncadd.s32 @!p0 $0xFFFFD800;
	(pc) =	sbr.rel @p1 .LBB2_1-.Ltmp3, $4  }
0xd4: {  	[hbm4b:s14+s9] =	stream.linear.scatter @!p0 [tilespmem:s7], [sflag:$0x2], $0x2800, $0x38;
	[tilespmem:$0x18980] =	vst v63  }
0xd5: {  	_ =	swait.ge @!p0 [sflag:s8], $0x2800  }
0xd6: {  	[sflag:s8] =	ssyncset.done @!p0 $0x0  }
0xd7: {  	[sflag:s8] =	ssyncadd.s32 @!p0 $0xFFFFD800  }
0xd8: {  	_ =	sfence.sel $0x180000  }
0xd9: {  	[bflag:$0x0] =	sbarrier.arrive $0xFFFF  }
0xda: {  	_ =	strace $0x90000047  }
0xdb: {  	s0 =	stileid.u32;
	[bflag:$0x2] =	sbarrier.arrive $0xFFFF  }
0xdc: {  	p0 =	sne.s32 s0, $0x0;
	s0 =	rddreg [dreg:$0x5]  }
0xdd: {  	s0 =	sadd.s32 @!p0 $0x100000, s0  }
0xde: {  	[sflag:s0] =	ssyncadd.tile.s32 @!p0 $0x1;
	_ =	shalt  }
.Lfunc_end2:
_tile_overlayer_lowered:
.L_overlay_start_2:
0xdf: {  	(tag) =	ssettag $0x2  }
0xe0: {  	s0 =	rddreg [dreg:$0x0];
	s2 =	stileid.u32  }
0xe1: {  	s1 =	rddreg [dreg:$0x1];
	p0 =	sne.s32 s2, $0x0  }
0xe2: {  	s3 =	rddreg [dreg:$0x2];
	[bflag:$0x3] =	sbarrier.arrive $0xFFFF;
	s2 =	simm.s32 @!p0 $0x1C02  }
0xe3: {  	[timem:s3], [sflag:s2] =	dma.local @!p0 [hbm:s0], s1  }
0xe4: {  	s0 =	simm.s32 @!p0 $0x2  }
0xe5: {  	_ =	swait.ge @!p0 [sflag:s0], s1  }
0xe6: {  	s1 =	ssub.s32 @!p0 $0x0, s1;
	[sflag:s0] =	ssyncset.done @!p0 $0x0  }
0xe7: {  	[sflag:s0] =	ssyncadd.s32 @!p0 s1  }
0xe8: {  	[bflag:$0x3] =	sbarrier.arrive $0xFFFF  }
0xe9: {  	_ =	shalt  }

</sc_bundles>
